<compile_context>
chip_gen: v7x
topology: tpu7x:2x2x1
jax: 0.10.2.dev20260603
libtpu: 0.0.44.dev20260713+nightly
codegen_flags: <defaults>
</compile_context>

<pallas_src>
import functools

import jax
import jax.numpy as jnp
from jax import lax
from jax.experimental import pallas as pl
from jax.experimental.pallas import tpu as pltpu
from jax.experimental.pallas import tpu_sc as plsc

EMB = 96
EMB_PAD = 128
PD = 32
NM, ND, NH = 13, 32, 24
NROWS = NM * ND * NH
DCH = 8
RPG = DCH * NH
TWO_PI = 6.283185307179586

SC_NC = 2
SC_NS = 16
LANES = 16
NW = SC_NC * SC_NS
GCH = 128
NREP = NW * NH
TROWS = NROWS + NREP


def _cdot(a, b):
    return lax.dot_general(a, b, (((1,), (1,)), ((), ())),
                           preferred_element_type=jnp.float32)


def _feats(n, period):
    v = lax.broadcasted_iota(jnp.int32, (n, PD // 2), 0).astype(jnp.float32) / period
    k = lax.broadcasted_iota(jnp.int32, (n, PD // 2), 1).astype(jnp.float32) + 1.0
    ang = TWO_PI * v * k
    return jnp.concatenate([jnp.sin(ang), jnp.cos(ang)], axis=-1)


def _table_body(mw_ref, dw_ref, hw_ref, w_ref, b_ref, out_ref, mt, dt, ht):
    g = pl.program_id(0)

    @pl.when(g == 0)
    def _init():
        w = w_ref[...]
        mt[...] = mw_ref[...] + _cdot(_feats(NM, 12.0), w[:, 0:PD])
        dt[...] = dw_ref[...] + _cdot(_feats(ND, 31.0), w[:, PD:2 * PD])
        ht[...] = (hw_ref[...] + _cdot(_feats(NH, 24.0), w[:, 2 * PD:3 * PD])
                   + b_ref[...])

    zpad = jnp.zeros((RPG, EMB_PAD - EMB), jnp.float32)

    hall = ht[...]
    for half in range(2):
        m = g * 2 + half

        @pl.when(m < NM)
        def _combo(m=m, half=half):
            mrow = mt[pl.ds(m, 1), :]
            for dc in range(ND // DCH):
                dchunk = dt[pl.ds(dc * DCH, DCH), :]
                combo = (dchunk[:, None, :] + hall[None, :, :]
                         + mrow[None, :, :])
                out_ref[pl.ds((half * 4 + dc) * RPG, RPG), :] = (
                    jnp.concatenate([combo.reshape(RPG, EMB), zpad],
                                    axis=-1))

        @pl.when(m >= NM)
        def _replicas(half=half):
            head = (mt[pl.ds(0, 1), :] + dt[pl.ds(0, 1), :] + hall)
            rep = jnp.broadcast_to(head[None, :, :], (RPG // NH, NH, EMB))
            rep = jnp.concatenate([rep.reshape(RPG, EMB), zpad], axis=-1)
            for dc in range(ND // DCH):
                out_ref[pl.ds((half * 4 + dc) * RPG, RPG), :] = rep


def _build_table(month_w, day_w, hour_w, proj_w, proj_b2d):
    grid = (TROWS // (8 * RPG),)
    return pl.pallas_call(
        _table_body,
        grid=grid,
        in_specs=[
            pl.BlockSpec((NM, EMB), lambda g: (0, 0)),
            pl.BlockSpec((ND, EMB), lambda g: (0, 0)),
            pl.BlockSpec((NH, EMB), lambda g: (0, 0)),
            pl.BlockSpec((EMB, EMB), lambda g: (0, 0)),
            pl.BlockSpec((1, EMB), lambda g: (0, 0)),
        ],
        out_specs=pl.BlockSpec((8 * RPG, EMB_PAD), lambda g: (g, 0)),
        out_shape=jax.ShapeDtypeStruct((TROWS, EMB_PAD), jnp.float32),
        scratch_shapes=[
            pltpu.VMEM((NM, EMB), jnp.float32),
            pltpu.VMEM((ND, EMB), jnp.float32),
            pltpu.VMEM((NH, EMB), jnp.float32),
        ],
        compiler_params=pltpu.CompilerParams(
            dimension_semantics=("arbitrary",)),
    )(month_w, day_w, hour_w, proj_w, proj_b2d)


@functools.lru_cache(maxsize=None)
def _make_sc_gather(batch):
    bpw = batch // NW
    nch = bpw // GCH
    mesh = plsc.VectorSubcoreMesh(core_axis_name="c", subcore_axis_name="s")

    @functools.partial(
        pl.kernel,
        out_type=jax.ShapeDtypeStruct((batch, EMB_PAD), jnp.float32),
        mesh=mesh,
        scratch_types=[
            pltpu.VMEM((bpw,), jnp.int32),
            pltpu.VMEM((nch, GCH), jnp.int32),
            pltpu.VMEM((bpw, EMB_PAD), jnp.float32),
            pltpu.SemaphoreType.DMA,
            pltpu.SemaphoreType.DMA,
        ],
    )
    def sc_gather(x_ref, table_ref, out_ref, xv, idx, rows, sem, wsem):
        wid = lax.axis_index("s") * SC_NC + lax.axis_index("c")
        base = wid * bpw
        pltpu.sync_copy(x_ref.at[pl.ds(base, bpw)], xv)
        c100 = jnp.full((LANES,), 100, jnp.int32)
        chmax = jnp.full((LANES,), NH - 1, jnp.int32)
        cdmax = jnp.full((LANES,), ND - 1, jnp.int32)
        cmmax = jnp.full((LANES,), NM - 1, jnp.int32)
        cnh = jnp.full((LANES,), NH, jnp.int32)
        cndh = jnp.full((LANES,), ND * NH, jnp.int32)
        chalf = jnp.full((LANES,), 0.5, jnp.float32)
        crecip = jnp.full((LANES,), 0.01, jnp.float32)
        cpr = GCH // LANES

        def div100(vf):
            return ((vf + chalf) * crecip).astype(jnp.int32)

        repoff = jnp.full((LANES,), NROWS, jnp.int32) + lax.broadcast(
            wid * NH, (LANES,))

        def dec(j, carry):
            v = xv[pl.ds(j * LANES, LANES)]
            vf = v.astype(jnp.float32)
            q1 = div100(vf)
            q2 = div100(q1.astype(jnp.float32))
            h = lax.min(v - q1 * c100, chmax)
            d = lax.min(q1 - q2 * c100, cdmax)
            m = lax.min(q2, cmmax)
            cidx = m * cndh + d * cnh + h
            cidx = lax.select(cidx < cnh, repoff + cidx, cidx)
            idx[j // cpr, pl.ds((j % cpr) * LANES, LANES)] = cidx
            return carry

        lax.fori_loop(0, bpw // LANES, dec, 0)
        gathers = [
            pltpu.async_copy(table_ref.at[idx.at[c]],
                             rows.at[pl.ds(c * GCH, GCH)], sem)
            for c in range(nch)
        ]
        writes = []
        for c in range(nch):
            gathers[c].wait()
            writes.append(
                pltpu.async_copy(rows.at[pl.ds(c * GCH, GCH)],
                                 out_ref.at[pl.ds(base + c * GCH, GCH)],
                                 wsem))
        for wr in writes:
            wr.wait()

    return sc_gather


def kernel(x, year_w, month_w, day_w, hour_w, proj_w, proj_b):
    del year_w
    x0 = x.reshape(-1).astype(jnp.int32)
    table = _build_table(month_w, day_w, hour_w, proj_w,
                         proj_b.reshape(1, EMB))
    padded = _make_sc_gather(x0.shape[0])(x0, table)
    return padded[:, :EMB]

# --- scband reference (transcript-rebuilt; emitter-appended) ---
"""Pipeline reference for scband-time-embedding-3143916061219 (READ-ONLY COPY).

The authoritative reference and input builder live on the scoring server;
editing this copy changes nothing except your own understanding.
"""

import jax, jax.numpy as jnp
import numpy as np

EMB_DIM = 96
YEAR_MIN = 0
YEAR_MAX = 0
PERIODIC_DIM = EMB_DIM // 3
B = 16384


def setup_inputs(seed: int = 0) -> dict:
    key = jax.random.key(seed)
    ks = jax.random.split(key, 7)
    # x encodes YYYYMMDDHH as year*1e6 + month*1e4 + day*1e2 + hour.
    # Values are drawn in [0, 24) so that decoded year=0 (in year_range [0,0]),
    # month=0, day=0, hour in [0,24) -- all indices are in-range for the tables.
    x = jax.random.randint(ks[0], (B, 1), 0, 24)
    year_w = jax.random.normal(ks[1], (YEAR_MAX - YEAR_MIN + 1, EMB_DIM), dtype=jnp.float32)
    month_w = jax.random.normal(ks[2], (12 + 1, EMB_DIM), dtype=jnp.float32)
    day_w = jax.random.normal(ks[3], (31 + 1, EMB_DIM), dtype=jnp.float32)
    hour_w = jax.random.normal(ks[4], (24, EMB_DIM), dtype=jnp.float32)
    lim = 1.0 / np.sqrt(EMB_DIM)
    proj_w = jax.random.uniform(ks[5], (EMB_DIM, EMB_DIM), minval=-lim, maxval=lim, dtype=jnp.float32)
    proj_b = jax.random.uniform(ks[6], (EMB_DIM,), minval=-lim, maxval=lim, dtype=jnp.float32)
    return {"x": x, "year_w": year_w, "month_w": month_w, "day_w": day_w,
            "hour_w": hour_w, "proj_w": proj_w, "proj_b": proj_b}


def _periodic(v, period):
    v = v.astype(jnp.float32) / period
    i = jnp.arange(1, PERIODIC_DIM // 2 + 1, dtype=jnp.float32)
    ang = 2.0 * jnp.pi * v[:, None] * i[None, :]
    # torch builds [sin(1x)..sin(kx), cos(1x)..cos(kx)] and concats on last dim
    return jnp.concatenate([jnp.sin(ang), jnp.cos(ang)], axis=-1)


def reference(x, year_w, month_w, day_w, hour_w, proj_w, proj_b):
    x0 = x[:, 0]
    years = x0 // 1000000
    months = (x0 // 10000) % 100
    days = (x0 // 100) % 100
    hours = x0 % 100
    # year_emb is computed in the original module but never added to the output
    year_emb = jnp.take(year_w, years - YEAR_MIN, axis=0)
    month_emb = jnp.take(month_w, months, axis=0)
    day_emb = jnp.take(day_w, days, axis=0)
    hour_emb = jnp.take(hour_w, hours, axis=0)
    emb = month_emb + day_emb + hour_emb
    p_month = _periodic(months, 12)
    p_day = _periodic(days, 31)
    p_hour = _periodic(hours, 24)
    periodic_feat = jnp.concatenate([p_month, p_day, p_hour], axis=-1)
    emb = emb + periodic_feat @ proj_w.T + proj_b
    return emb

if __name__ == "__main__":
    import jax
    _d = setup_inputs()
    print(jax.jit(kernel)(*tuple(_d.values())))

</pallas_src>

<mosaic_0001>
#map = affine_map<(d0, d1) -> (0)>
#map1 = affine_map<(d0, d1) -> (0, 0)>
module attributes {stable_mosaic.version = 14 : i64} {
  func.func @sc_gather(%arg0: i32, %arg1: i32, %arg2: memref<16384xi32, #tpu.memory_space<hbm>>, %arg3: memref<10752x128xf32, #tpu.memory_space<hbm>>, %arg4: memref<16384x128xf32, #tpu.memory_space<hbm>>, %arg5: memref<512xi32, #tpu.memory_space<vmem>>, %arg6: memref<4x128xi32, #tpu.memory_space<vmem>>, %arg7: memref<512x128xf32, #tpu.memory_space<vmem>>, %arg8: memref<!tpu.dma_semaphore, #tpu.memory_space<semaphore_mem>>, %arg9: memref<!tpu.dma_semaphore, #tpu.memory_space<semaphore_mem>>) attributes {dimension_semantics = [#tpu.dimension_semantics<core_parallel>, #tpu.dimension_semantics<subcore_parallel>], iteration_bounds = array<i64: 2, 16>, scalar_prefetch = 0 : i64, scratch_operands = 5 : i64, tpu.core_type = #tpu.core_type<sc_vector_subcore>, window_params = [{transform_indices = #map}, {transform_indices = #map1}, {transform_indices = #map1}]} {
    %mul3A = arith.constant 2 : i32
    %mul3A_0 = arith.muli %arg1, %mul3A : i32
    %add3A = arith.addi %mul3A_0, %arg0 : i32
    %mul3A_1 = arith.constant 512 : i32
    %mul3A_2 = arith.muli %add3A, %mul3A_1 : i32
    "tpu.region"() ({
      %run_scoped3A = tpu.sem_alloc : memref<!tpu.dma_semaphore, #tpu.memory_space<semaphore_mem>>
      %dma_start3A_195 = tpu.memref_slice %arg2[%mul3A_2] : memref<16384xi32, #tpu.memory_space<hbm>> -> memref<512xi32, #tpu.memory_space<hbm>>
      %dma_start3A_196 = tpu.memref_slice %arg2[%mul3A_2] : memref<16384xi32, #tpu.memory_space<hbm>> -> memref<512xi32, #tpu.memory_space<hbm>>
      tpu.enqueue_dma source(%dma_start3A_196 : memref<512xi32, #tpu.memory_space<hbm>>) target(%arg5 : memref<512xi32, #tpu.memory_space<vmem>>) target_semaphore(%run_scoped3A : memref<!tpu.dma_semaphore, #tpu.memory_space<semaphore_mem>>)
      %dma_wait3A_197 = tpu.memref_slice %arg2[%mul3A_2] : memref<16384xi32, #tpu.memory_space<hbm>> -> memref<512xi32, #tpu.memory_space<hbm>>
      %dma_wait3A_198 = tpu.memref_slice %arg2[%mul3A_2] : memref<16384xi32, #tpu.memory_space<hbm>> -> memref<512xi32, #tpu.memory_space<hbm>>
      tpu.wait_dma2 semaphore(%run_scoped3A : memref<!tpu.dma_semaphore, #tpu.memory_space<semaphore_mem>>) src(%dma_wait3A_198 : memref<512xi32, #tpu.memory_space<hbm>>) dst(%arg5 : memref<512xi32, #tpu.memory_space<vmem>>)
      tpu.yield
    }) : () -> ()
    %broadcast_in_dim3A = arith.constant 100 : i32
    %broadcast_in_dim3A_3 = vector.broadcast %broadcast_in_dim3A : i32 to vector<16xi32>
    %broadcast_in_dim3A_4 = arith.constant 23 : i32
    %broadcast_in_dim3A_5 = vector.broadcast %broadcast_in_dim3A_4 : i32 to vector<16xi32>
    %broadcast_in_dim3A_6 = arith.constant 31 : i32
    %broadcast_in_dim3A_7 = vector.broadcast %broadcast_in_dim3A_6 : i32 to vector<16xi32>
    %broadcast_in_dim3A_8 = arith.constant 12 : i32
    %broadcast_in_dim3A_9 = vector.broadcast %broadcast_in_dim3A_8 : i32 to vector<16xi32>
    %broadcast_in_dim3A_10 = arith.constant 24 : i32
    %broadcast_in_dim3A_11 = vector.broadcast %broadcast_in_dim3A_10 : i32 to vector<16xi32>
    %broadcast_in_dim3A_12 = arith.constant 768 : i32
    %broadcast_in_dim3A_13 = vector.broadcast %broadcast_in_dim3A_12 : i32 to vector<16xi32>
    %broadcast_in_dim3A_14 = arith.constant 5.000000e-01 : f32
    %broadcast_in_dim3A_15 = vector.broadcast %broadcast_in_dim3A_14 : f32 to vector<16xf32>
    %broadcast_in_dim3A_16 = arith.constant 0.00999999977 : f32
    %broadcast_in_dim3A_17 = vector.broadcast %broadcast_in_dim3A_16 : f32 to vector<16xf32>
    %broadcast_in_dim3A_18 = arith.constant 9984 : i32
    %broadcast_in_dim3A_19 = vector.broadcast %broadcast_in_dim3A_18 : i32 to vector<16xi32>
    %mul3A_20 = arith.constant 24 : i32
    %mul3A_21 = arith.muli %add3A, %mul3A_20 : i32
    %broadcast_in_dim3A_22 = vector.broadcast %mul3A_21 : i32 to vector<16xi32>
    %add3A_23 = arith.addi %broadcast_in_dim3A_19, %broadcast_in_dim3A_22 : vector<16xi32>
    %scan3A = arith.constant 0 : i32
    %scan3A_24 = arith.constant 0 : i32
    %scan3A_25 = arith.constant 32 : i32
    %scan3A_26 = arith.addi %scan3A_24, %scan3A_25 : i32
    %scan3A_27 = arith.constant 1 : i32
    scf.for %scan3A_195 = %scan3A_24 to %scan3A_26 step %scan3A_27  : i32 {
      %mul3A_196 = arith.constant 16 : i32
      %mul3A_197 = arith.muli %scan3A_195, %mul3A_196 : i32
      %get3A = arith.index_cast %mul3A_197 : i32 to index
      %get3A_198 = tpu.vector_load %arg5[%get3A] {strides = array<i32>} : memref<512xi32, #tpu.memory_space<vmem>>, vector<16xi32>,
      %get3A_199 = vector.shape_cast %get3A_198 : vector<16xi32> to vector<16xi32>
      %convert_element_type3A = arith.sitofp %get3A_199 : vector<16xi32> to vector<16xf32>
      %add3A_200 = arith.addf %convert_element_type3A, %broadcast_in_dim3A_15 : vector<16xf32>
      %mul3A_201 = arith.mulf %add3A_200, %broadcast_in_dim3A_17 : vector<16xf32>
      %convert_element_type3A_202 = arith.fptosi %mul3A_201 : vector<16xf32> to vector<16xi32>
      %convert_element_type3A_203 = arith.sitofp %convert_element_type3A_202 : vector<16xi32> to vector<16xf32>
      %add3A_204 = arith.addf %convert_element_type3A_203, %broadcast_in_dim3A_15 : vector<16xf32>
      %mul3A_205 = arith.mulf %add3A_204, %broadcast_in_dim3A_17 : vector<16xf32>
      %convert_element_type3A_206 = arith.fptosi %mul3A_205 : vector<16xf32> to vector<16xi32>
      %mul3A_207 = arith.muli %convert_element_type3A_202, %broadcast_in_dim3A_3 : vector<16xi32>
      %sub3A = arith.subi %get3A_199, %mul3A_207 : vector<16xi32>
      %min3A = arith.minsi %sub3A, %broadcast_in_dim3A_5 : vector<16xi32>
      %mul3A_208 = arith.muli %convert_element_type3A_206, %broadcast_in_dim3A_3 : vector<16xi32>
      %sub3A_209 = arith.subi %convert_element_type3A_202, %mul3A_208 : vector<16xi32>
      %min3A_210 = arith.minsi %sub3A_209, %broadcast_in_dim3A_7 : vector<16xi32>
      %min3A_211 = arith.minsi %convert_element_type3A_206, %broadcast_in_dim3A_9 : vector<16xi32>
      %mul3A_212 = arith.muli %min3A_211, %broadcast_in_dim3A_13 : vector<16xi32>
      %mul3A_213 = arith.muli %min3A_210, %broadcast_in_dim3A_11 : vector<16xi32>
      %add3A_214 = arith.addi %mul3A_212, %mul3A_213 : vector<16xi32>
      %add3A_215 = arith.addi %add3A_214, %min3A : vector<16xi32>
      %lt3A = arith.cmpi slt, %add3A_215, %broadcast_in_dim3A_11 : vector<16xi32>
      %add3A_216 = arith.addi %add3A_23, %add3A_215 : vector<16xi32>
      %select_n3A = arith.select %lt3A, %add3A_216, %add3A_215 : vector<16xi1>, vector<16xi32>
      %jit3A = arith.constant 8 : i32
      %div3A = arith.divsi %scan3A_195, %jit3A : i32
      %sign3A = arith.constant 0 : i32
      %sign3A_217 = arith.cmpi sgt, %scan3A_195, %sign3A : i32
      %sign3A_218 = arith.extui %sign3A_217 : i1 to i32
      %sign3A_219 = arith.constant 0 : i32
      %sign3A_220 = arith.cmpi slt, %scan3A_195, %sign3A_219 : i32
      %sign3A_221 = arith.extui %sign3A_220 : i1 to i32
      %sign3A_222 = arith.subi %sign3A_218, %sign3A_221 : i32
      %sign3A_223 = arith.constant 0 : i32
      %sign3A_224 = arith.cmpi sgt, %jit3A, %sign3A_223 : i32
      %sign3A_225 = arith.extui %sign3A_224 : i1 to i32
      %sign3A_226 = arith.constant 0 : i32
      %sign3A_227 = arith.cmpi slt, %jit3A, %sign3A_226 : i32
      %sign3A_228 = arith.extui %sign3A_227 : i1 to i32
      %sign3A_229 = arith.subi %sign3A_225, %sign3A_228 : i32
      %ne3A = arith.cmpi ne, %sign3A_222, %sign3A_229 : i32
      %rem3A = arith.remsi %scan3A_195, %jit3A : i32
      %ne3A_230 = arith.constant 0 : i32
      %ne3A_231 = arith.cmpi ne, %rem3A, %ne3A_230 : i32
      %and3A = arith.andi %ne3A, %ne3A_231 : i1
      %sub3A_232 = arith.constant 1 : i32
      %sub3A_233 = arith.subi %div3A, %sub3A_232 : i32
      %select_n3A_234 = arith.select %and3A, %sub3A_233, %div3A : i32
      %jit3A_235 = arith.constant 8 : i32
      %eq3A = arith.constant 0 : i32
      %eq3A_236 = arith.cmpi eq, %jit3A_235, %eq3A : i32
      %jit3A_237 = arith.constant 1 : i32
      %select_n3A_238 = arith.select %eq3A_236, %jit3A_237, %jit3A_235 : i32
      %rem3A_239 = arith.remsi %scan3A_195, %select_n3A_238 : i32
      %ne3A_240 = arith.constant 0 : i32
      %ne3A_241 = arith.cmpi ne, %rem3A_239, %ne3A_240 : i32
      %lt3A_242 = arith.constant 0 : i32
      %lt3A_243 = arith.cmpi slt, %rem3A_239, %lt3A_242 : i32
      %lt3A_244 = arith.constant 0 : i32
      %lt3A_245 = arith.cmpi slt, %select_n3A_238, %lt3A_244 : i32
      %ne3A_246 = arith.xori %lt3A_243, %lt3A_245 : i1
      %and3A_247 = arith.andi %ne3A_246, %ne3A_241 : i1
      %add3A_248 = arith.addi %rem3A_239, %select_n3A_238 : i32
      %select_n3A_249 = arith.select %and3A_247, %add3A_248, %rem3A_239 : i32
      %mul3A_250 = arith.constant 16 : i32
      %mul3A_251 = arith.muli %select_n3A_249, %mul3A_250 : i32
      %swap3A = arith.index_cast %select_n3A_234 : i32 to index
      %swap3A_252 = arith.index_cast %mul3A_251 : i32 to index
      %swap3A_253 = tpu.vector_load %arg6[%swap3A, %swap3A_252] {strides = array<i32>} : memref<4x128xi32, #tpu.memory_space<vmem>>, vector<1x16xi32>,
      %swap3A_254 = vector.shape_cast %swap3A_253 : vector<1x16xi32> to vector<16xi32>
      %swap3A_255 = vector.shape_cast %select_n3A : vector<16xi32> to vector<1x16xi32>
      tpu.vector_store %arg6[%swap3A, %swap3A_252], %swap3A_255 {strides = array<i32>} : memref<4x128xi32, #tpu.memory_space<vmem>>, vector<1x16xi32>,
    }
    %scan3A_28 = arith.constant 32 : i32
    %dma_start3A = arith.constant 0 : i32
    %dma_start3A_29 = arith.constant 0 : i32
    %dma_start3A_30 = arith.constant 0 : i32
    %dma_start3A_31 = tpu.memref_slice %arg7[%dma_start3A_29, %dma_start3A_30] : memref<512x128xf32, #tpu.memory_space<vmem>> -> memref<128x128xf32, #tpu.memory_space<vmem>>
    %dma_start3A_32 = arith.constant 0 : i32
    %dma_start3A_33 = tpu.memref_slice %arg6[%dma_start3A, %dma_start3A_32] : memref<4x128xi32, #tpu.memory_space<vmem>> -> memref<1x128xi32, #tpu.memory_space<vmem>>
    %dma_start3A_34 = tpu.memref_squeeze %dma_start3A_33 : memref<1x128xi32, #tpu.memory_space<vmem>> -> memref<128xi32, #tpu.memory_space<vmem>>
    %dma_start3A_35 = arith.constant 0 : i32
    %dma_start3A_36 = arith.constant 0 : i32
    %dma_start3A_37 = tpu.memref_slice %arg3[%dma_start3A_35, %dma_start3A_36] : memref<10752x128xf32, #tpu.memory_space<hbm>> -> memref<10752x128xf32, #tpu.memory_space<hbm>>
    tpu.enqueue_indirect_dma source(%dma_start3A_37 : memref<10752x128xf32, #tpu.memory_space<hbm>>) target(%dma_start3A_31 : memref<128x128xf32, #tpu.memory_space<vmem>>) offsets(%dma_start3A_34 : memref<128xi32, #tpu.memory_space<vmem>>) semaphore(%arg8 : memref<!tpu.dma_semaphore, #tpu.memory_space<semaphore_mem>>)
    %dma_start3A_38 = arith.constant 1 : i32
    %dma_start3A_39 = arith.constant 128 : i32
    %dma_start3A_40 = arith.constant 0 : i32
    %dma_start3A_41 = tpu.memref_slice %arg7[%dma_start3A_39, %dma_start3A_40] : memref<512x128xf32, #tpu.memory_space<vmem>> -> memref<128x128xf32, #tpu.memory_space<vmem>>
    %dma_start3A_42 = arith.constant 0 : i32
    %dma_start3A_43 = tpu.memref_slice %arg6[%dma_start3A_38, %dma_start3A_42] : memref<4x128xi32, #tpu.memory_space<vmem>> -> memref<1x128xi32, #tpu.memory_space<vmem>>
    %dma_start3A_44 = tpu.memref_squeeze %dma_start3A_43 : memref<1x128xi32, #tpu.memory_space<vmem>> -> memref<128xi32, #tpu.memory_space<vmem>>
    %dma_start3A_45 = arith.constant 0 : i32
    %dma_start3A_46 = arith.constant 0 : i32
    %dma_start3A_47 = tpu.memref_slice %arg3[%dma_start3A_45, %dma_start3A_46] : memref<10752x128xf32, #tpu.memory_space<hbm>> -> memref<10752x128xf32, #tpu.memory_space<hbm>>
    tpu.enqueue_indirect_dma source(%dma_start3A_47 : memref<10752x128xf32, #tpu.memory_space<hbm>>) target(%dma_start3A_41 : memref<128x128xf32, #tpu.memory_space<vmem>>) offsets(%dma_start3A_44 : memref<128xi32, #tpu.memory_space<vmem>>) semaphore(%arg8 : memref<!tpu.dma_semaphore, #tpu.memory_space<semaphore_mem>>)
    %dma_start3A_48 = arith.constant 2 : i32
    %dma_start3A_49 = arith.constant 256 : i32
    %dma_start3A_50 = arith.constant 0 : i32
    %dma_start3A_51 = tpu.memref_slice %arg7[%dma_start3A_49, %dma_start3A_50] : memref<512x128xf32, #tpu.memory_space<vmem>> -> memref<128x128xf32, #tpu.memory_space<vmem>>
    %dma_start3A_52 = arith.constant 0 : i32
    %dma_start3A_53 = tpu.memref_slice %arg6[%dma_start3A_48, %dma_start3A_52] : memref<4x128xi32, #tpu.memory_space<vmem>> -> memref<1x128xi32, #tpu.memory_space<vmem>>
    %dma_start3A_54 = tpu.memref_squeeze %dma_start3A_53 : memref<1x128xi32, #tpu.memory_space<vmem>> -> memref<128xi32, #tpu.memory_space<vmem>>
    %dma_start3A_55 = arith.constant 0 : i32
    %dma_start3A_56 = arith.constant 0 : i32
    %dma_start3A_57 = tpu.memref_slice %arg3[%dma_start3A_55, %dma_start3A_56] : memref<10752x128xf32, #tpu.memory_space<hbm>> -> memref<10752x128xf32, #tpu.memory_space<hbm>>
    tpu.enqueue_indirect_dma source(%dma_start3A_57 : memref<10752x128xf32, #tpu.memory_space<hbm>>) target(%dma_start3A_51 : memref<128x128xf32, #tpu.memory_space<vmem>>) offsets(%dma_start3A_54 : memref<128xi32, #tpu.memory_space<vmem>>) semaphore(%arg8 : memref<!tpu.dma_semaphore, #tpu.memory_space<semaphore_mem>>)
    %dma_start3A_58 = arith.constant 3 : i32
    %dma_start3A_59 = arith.constant 384 : i32
    %dma_start3A_60 = arith.constant 0 : i32
    %dma_start3A_61 = tpu.memref_slice %arg7[%dma_start3A_59, %dma_start3A_60] : memref<512x128xf32, #tpu.memory_space<vmem>> -> memref<128x128xf32, #tpu.memory_space<vmem>>
    %dma_start3A_62 = arith.constant 0 : i32
    %dma_start3A_63 = tpu.memref_slice %arg6[%dma_start3A_58, %dma_start3A_62] : memref<4x128xi32, #tpu.memory_space<vmem>> -> memref<1x128xi32, #tpu.memory_space<vmem>>
    %dma_start3A_64 = tpu.memref_squeeze %dma_start3A_63 : memref<1x128xi32, #tpu.memory_space<vmem>> -> memref<128xi32, #tpu.memory_space<vmem>>
    %dma_start3A_65 = arith.constant 0 : i32
    %dma_start3A_66 = arith.constant 0 : i32
    %dma_start3A_67 = tpu.memref_slice %arg3[%dma_start3A_65, %dma_start3A_66] : memref<10752x128xf32, #tpu.memory_space<hbm>> -> memref<10752x128xf32, #tpu.memory_space<hbm>>
    tpu.enqueue_indirect_dma source(%dma_start3A_67 : memref<10752x128xf32, #tpu.memory_space<hbm>>) target(%dma_start3A_61 : memref<128x128xf32, #tpu.memory_space<vmem>>) offsets(%dma_start3A_64 : memref<128xi32, #tpu.memory_space<vmem>>) semaphore(%arg8 : memref<!tpu.dma_semaphore, #tpu.memory_space<semaphore_mem>>)
    %dma_wait3A = arith.constant 0 : i32
    %dma_wait3A_68 = arith.constant 0 : i32
    %dma_wait3A_69 = arith.constant 0 : i32
    %dma_wait3A_70 = tpu.memref_slice %arg7[%dma_wait3A_68, %dma_wait3A_69] : memref<512x128xf32, #tpu.memory_space<vmem>> -> memref<128x128xf32, #tpu.memory_space<vmem>>
    %dma_wait3A_71 = arith.constant 0 : i32
    %dma_wait3A_72 = tpu.memref_slice %arg6[%dma_wait3A, %dma_wait3A_71] : memref<4x128xi32, #tpu.memory_space<vmem>> -> memref<1x128xi32, #tpu.memory_space<vmem>>
    %dma_wait3A_73 = tpu.memref_squeeze %dma_wait3A_72 : memref<1x128xi32, #tpu.memory_space<vmem>> -> memref<128xi32, #tpu.memory_space<vmem>>
    %dma_wait3A_74 = arith.constant 0 : i32
    %dma_wait3A_75 = arith.constant 0 : i32
    %dma_wait3A_76 = tpu.memref_slice %arg3[%dma_wait3A_74, %dma_wait3A_75] : memref<10752x128xf32, #tpu.memory_space<hbm>> -> memref<10752x128xf32, #tpu.memory_space<hbm>>
    tpu.wait_indirect_dma semaphore(%arg8 : memref<!tpu.dma_semaphore, #tpu.memory_space<semaphore_mem>>) src(%dma_wait3A_76 : memref<10752x128xf32, #tpu.memory_space<hbm>>) dst(%dma_wait3A_70 : memref<128x128xf32, #tpu.memory_space<vmem>>)
    %add3A_77 = arith.constant 0 : i32
    %add3A_78 = arith.addi %mul3A_2, %add3A_77 : i32
    %dma_start3A_79 = arith.constant 0 : i32
    %dma_start3A_80 = arith.constant 0 : i32
    %dma_start3A_81 = tpu.memref_slice %arg7[%dma_start3A_79, %dma_start3A_80] : memref<512x128xf32, #tpu.memory_space<vmem>> -> memref<128x128xf32, #tpu.memory_space<vmem>>
    %dma_start3A_82 = arith.constant 0 : i32
    %dma_start3A_83 = tpu.memref_slice %arg4[%add3A_78, %dma_start3A_82] : memref<16384x128xf32, #tpu.memory_space<hbm>> -> memref<128x128xf32, #tpu.memory_space<hbm>>
    %dma_start3A_84 = arith.constant 0 : i32
    %dma_start3A_85 = tpu.memref_slice %arg4[%add3A_78, %dma_start3A_84] : memref<16384x128xf32, #tpu.memory_space<hbm>> -> memref<128x128xf32, #tpu.memory_space<hbm>>
    %dma_start3A_86 = arith.constant 0 : i32
    %dma_start3A_87 = arith.constant 0 : i32
    %dma_start3A_88 = tpu.memref_slice %arg7[%dma_start3A_86, %dma_start3A_87] : memref<512x128xf32, #tpu.memory_space<vmem>> -> memref<128x128xf32, #tpu.memory_space<vmem>>
    tpu.enqueue_dma source(%dma_start3A_88 : memref<128x128xf32, #tpu.memory_space<vmem>>) target(%dma_start3A_85 : memref<128x128xf32, #tpu.memory_space<hbm>>) target_semaphore(%arg9 : memref<!tpu.dma_semaphore, #tpu.memory_space<semaphore_mem>>)
    %dma_wait3A_89 = arith.constant 1 : i32
    %dma_wait3A_90 = arith.constant 128 : i32
    %dma_wait3A_91 = arith.constant 0 : i32
    %dma_wait3A_92 = tpu.memref_slice %arg7[%dma_wait3A_90, %dma_wait3A_91] : memref<512x128xf32, #tpu.memory_space<vmem>> -> memref<128x128xf32, #tpu.memory_space<vmem>>
    %dma_wait3A_93 = arith.constant 0 : i32
    %dma_wait3A_94 = tpu.memref_slice %arg6[%dma_wait3A_89, %dma_wait3A_93] : memref<4x128xi32, #tpu.memory_space<vmem>> -> memref<1x128xi32, #tpu.memory_space<vmem>>
    %dma_wait3A_95 = tpu.memref_squeeze %dma_wait3A_94 : memref<1x128xi32, #tpu.memory_space<vmem>> -> memref<128xi32, #tpu.memory_space<vmem>>
    %dma_wait3A_96 = arith.constant 0 : i32
    %dma_wait3A_97 = arith.constant 0 : i32
    %dma_wait3A_98 = tpu.memref_slice %arg3[%dma_wait3A_96, %dma_wait3A_97] : memref<10752x128xf32, #tpu.memory_space<hbm>> -> memref<10752x128xf32, #tpu.memory_space<hbm>>
    tpu.wait_indirect_dma semaphore(%arg8 : memref<!tpu.dma_semaphore, #tpu.memory_space<semaphore_mem>>) src(%dma_wait3A_98 : memref<10752x128xf32, #tpu.memory_space<hbm>>) dst(%dma_wait3A_92 : memref<128x128xf32, #tpu.memory_space<vmem>>)
    %add3A_99 = arith.constant 128 : i32
    %add3A_100 = arith.addi %mul3A_2, %add3A_99 : i32
    %dma_start3A_101 = arith.constant 128 : i32
    %dma_start3A_102 = arith.constant 0 : i32
    %dma_start3A_103 = tpu.memref_slice %arg7[%dma_start3A_101, %dma_start3A_102] : memref<512x128xf32, #tpu.memory_space<vmem>> -> memref<128x128xf32, #tpu.memory_space<vmem>>
    %dma_start3A_104 = arith.constant 0 : i32
    %dma_start3A_105 = tpu.memref_slice %arg4[%add3A_100, %dma_start3A_104] : memref<16384x128xf32, #tpu.memory_space<hbm>> -> memref<128x128xf32, #tpu.memory_space<hbm>>
    %dma_start3A_106 = arith.constant 0 : i32
    %dma_start3A_107 = tpu.memref_slice %arg4[%add3A_100, %dma_start3A_106] : memref<16384x128xf32, #tpu.memory_space<hbm>> -> memref<128x128xf32, #tpu.memory_space<hbm>>
    %dma_start3A_108 = arith.constant 128 : i32
    %dma_start3A_109 = arith.constant 0 : i32
    %dma_start3A_110 = tpu.memref_slice %arg7[%dma_start3A_108, %dma_start3A_109] : memref<512x128xf32, #tpu.memory_space<vmem>> -> memref<128x128xf32, #tpu.memory_space<vmem>>
    tpu.enqueue_dma source(%dma_start3A_110 : memref<128x128xf32, #tpu.memory_space<vmem>>) target(%dma_start3A_107 : memref<128x128xf32, #tpu.memory_space<hbm>>) target_semaphore(%arg9 : memref<!tpu.dma_semaphore, #tpu.memory_space<semaphore_mem>>)
    %dma_wait3A_111 = arith.constant 2 : i32
    %dma_wait3A_112 = arith.constant 256 : i32
    %dma_wait3A_113 = arith.constant 0 : i32
    %dma_wait3A_114 = tpu.memref_slice %arg7[%dma_wait3A_112, %dma_wait3A_113] : memref<512x128xf32, #tpu.memory_space<vmem>> -> memref<128x128xf32, #tpu.memory_space<vmem>>
    %dma_wait3A_115 = arith.constant 0 : i32
    %dma_wait3A_116 = tpu.memref_slice %arg6[%dma_wait3A_111, %dma_wait3A_115] : memref<4x128xi32, #tpu.memory_space<vmem>> -> memref<1x128xi32, #tpu.memory_space<vmem>>
    %dma_wait3A_117 = tpu.memref_squeeze %dma_wait3A_116 : memref<1x128xi32, #tpu.memory_space<vmem>> -> memref<128xi32, #tpu.memory_space<vmem>>
    %dma_wait3A_118 = arith.constant 0 : i32
    %dma_wait3A_119 = arith.constant 0 : i32
    %dma_wait3A_120 = tpu.memref_slice %arg3[%dma_wait3A_118, %dma_wait3A_119] : memref<10752x128xf32, #tpu.memory_space<hbm>> -> memref<10752x128xf32, #tpu.memory_space<hbm>>
    tpu.wait_indirect_dma semaphore(%arg8 : memref<!tpu.dma_semaphore, #tpu.memory_space<semaphore_mem>>) src(%dma_wait3A_120 : memref<10752x128xf32, #tpu.memory_space<hbm>>) dst(%dma_wait3A_114 : memref<128x128xf32, #tpu.memory_space<vmem>>)
    %add3A_121 = arith.constant 256 : i32
    %add3A_122 = arith.addi %mul3A_2, %add3A_121 : i32
    %dma_start3A_123 = arith.constant 256 : i32
    %dma_start3A_124 = arith.constant 0 : i32
    %dma_start3A_125 = tpu.memref_slice %arg7[%dma_start3A_123, %dma_start3A_124] : memref<512x128xf32, #tpu.memory_space<vmem>> -> memref<128x128xf32, #tpu.memory_space<vmem>>
    %dma_start3A_126 = arith.constant 0 : i32
    %dma_start3A_127 = tpu.memref_slice %arg4[%add3A_122, %dma_start3A_126] : memref<16384x128xf32, #tpu.memory_space<hbm>> -> memref<128x128xf32, #tpu.memory_space<hbm>>
    %dma_start3A_128 = arith.constant 0 : i32
    %dma_start3A_129 = tpu.memref_slice %arg4[%add3A_122, %dma_start3A_128] : memref<16384x128xf32, #tpu.memory_space<hbm>> -> memref<128x128xf32, #tpu.memory_space<hbm>>
    %dma_start3A_130 = arith.constant 256 : i32
    %dma_start3A_131 = arith.constant 0 : i32
    %dma_start3A_132 = tpu.memref_slice %arg7[%dma_start3A_130, %dma_start3A_131] : memref<512x128xf32, #tpu.memory_space<vmem>> -> memref<128x128xf32, #tpu.memory_space<vmem>>
    tpu.enqueue_dma source(%dma_start3A_132 : memref<128x128xf32, #tpu.memory_space<vmem>>) target(%dma_start3A_129 : memref<128x128xf32, #tpu.memory_space<hbm>>) target_semaphore(%arg9 : memref<!tpu.dma_semaphore, #tpu.memory_space<semaphore_mem>>)
    %dma_wait3A_133 = arith.constant 3 : i32
    %dma_wait3A_134 = arith.constant 384 : i32
    %dma_wait3A_135 = arith.constant 0 : i32
    %dma_wait3A_136 = tpu.memref_slice %arg7[%dma_wait3A_134, %dma_wait3A_135] : memref<512x128xf32, #tpu.memory_space<vmem>> -> memref<128x128xf32, #tpu.memory_space<vmem>>
    %dma_wait3A_137 = arith.constant 0 : i32
    %dma_wait3A_138 = tpu.memref_slice %arg6[%dma_wait3A_133, %dma_wait3A_137] : memref<4x128xi32, #tpu.memory_space<vmem>> -> memref<1x128xi32, #tpu.memory_space<vmem>>
    %dma_wait3A_139 = tpu.memref_squeeze %dma_wait3A_138 : memref<1x128xi32, #tpu.memory_space<vmem>> -> memref<128xi32, #tpu.memory_space<vmem>>
    %dma_wait3A_140 = arith.constant 0 : i32
    %dma_wait3A_141 = arith.constant 0 : i32
    %dma_wait3A_142 = tpu.memref_slice %arg3[%dma_wait3A_140, %dma_wait3A_141] : memref<10752x128xf32, #tpu.memory_space<hbm>> -> memref<10752x128xf32, #tpu.memory_space<hbm>>
    tpu.wait_indirect_dma semaphore(%arg8 : memref<!tpu.dma_semaphore, #tpu.memory_space<semaphore_mem>>) src(%dma_wait3A_142 : memref<10752x128xf32, #tpu.memory_space<hbm>>) dst(%dma_wait3A_136 : memref<128x128xf32, #tpu.memory_space<vmem>>)
    %add3A_143 = arith.constant 384 : i32
    %add3A_144 = arith.addi %mul3A_2, %add3A_143 : i32
    %dma_start3A_145 = arith.constant 384 : i32
    %dma_start3A_146 = arith.constant 0 : i32
    %dma_start3A_147 = tpu.memref_slice %arg7[%dma_start3A_145, %dma_start3A_146] : memref<512x128xf32, #tpu.memory_space<vmem>> -> memref<128x128xf32, #tpu.memory_space<vmem>>
    %dma_start3A_148 = arith.constant 0 : i32
    %dma_start3A_149 = tpu.memref_slice %arg4[%add3A_144, %dma_start3A_148] : memref<16384x128xf32, #tpu.memory_space<hbm>> -> memref<128x128xf32, #tpu.memory_space<hbm>>
    %dma_start3A_150 = arith.constant 0 : i32
    %dma_start3A_151 = tpu.memref_slice %arg4[%add3A_144, %dma_start3A_150] : memref<16384x128xf32, #tpu.memory_space<hbm>> -> memref<128x128xf32, #tpu.memory_space<hbm>>
    %dma_start3A_152 = arith.constant 384 : i32
    %dma_start3A_153 = arith.constant 0 : i32
    %dma_start3A_154 = tpu.memref_slice %arg7[%dma_start3A_152, %dma_start3A_153] : memref<512x128xf32, #tpu.memory_space<vmem>> -> memref<128x128xf32, #tpu.memory_space<vmem>>
    tpu.enqueue_dma source(%dma_start3A_154 : memref<128x128xf32, #tpu.memory_space<vmem>>) target(%dma_start3A_151 : memref<128x128xf32, #tpu.memory_space<hbm>>) target_semaphore(%arg9 : memref<!tpu.dma_semaphore, #tpu.memory_space<semaphore_mem>>)
    %dma_wait3A_155 = arith.constant 0 : i32
    %dma_wait3A_156 = arith.constant 0 : i32
    %dma_wait3A_157 = tpu.memref_slice %arg7[%dma_wait3A_155, %dma_wait3A_156] : memref<512x128xf32, #tpu.memory_space<vmem>> -> memref<128x128xf32, #tpu.memory_space<vmem>>
    %dma_wait3A_158 = arith.constant 0 : i32
    %dma_wait3A_159 = tpu.memref_slice %arg4[%add3A_78, %dma_wait3A_158] : memref<16384x128xf32, #tpu.memory_space<hbm>> -> memref<128x128xf32, #tpu.memory_space<hbm>>
    %dma_wait3A_160 = arith.constant 0 : i32
    %dma_wait3A_161 = tpu.memref_slice %arg4[%add3A_78, %dma_wait3A_160] : memref<16384x128xf32, #tpu.memory_space<hbm>> -> memref<128x128xf32, #tpu.memory_space<hbm>>
    %dma_wait3A_162 = arith.constant 0 : i32
    %dma_wait3A_163 = arith.constant 0 : i32
    %dma_wait3A_164 = tpu.memref_slice %arg7[%dma_wait3A_162, %dma_wait3A_163] : memref<512x128xf32, #tpu.memory_space<vmem>> -> memref<128x128xf32, #tpu.memory_space<vmem>>
    tpu.wait_dma2 semaphore(%arg9 : memref<!tpu.dma_semaphore, #tpu.memory_space<semaphore_mem>>) src(%dma_wait3A_164 : memref<128x128xf32, #tpu.memory_space<vmem>>) dst(%dma_wait3A_161 : memref<128x128xf32, #tpu.memory_space<hbm>>)
    %dma_wait3A_165 = arith.constant 128 : i32
    %dma_wait3A_166 = arith.constant 0 : i32
    %dma_wait3A_167 = tpu.memref_slice %arg7[%dma_wait3A_165, %dma_wait3A_166] : memref<512x128xf32, #tpu.memory_space<vmem>> -> memref<128x128xf32, #tpu.memory_space<vmem>>
    %dma_wait3A_168 = arith.constant 0 : i32
    %dma_wait3A_169 = tpu.memref_slice %arg4[%add3A_100, %dma_wait3A_168] : memref<16384x128xf32, #tpu.memory_space<hbm>> -> memref<128x128xf32, #tpu.memory_space<hbm>>
    %dma_wait3A_170 = arith.constant 0 : i32
    %dma_wait3A_171 = tpu.memref_slice %arg4[%add3A_100, %dma_wait3A_170] : memref<16384x128xf32, #tpu.memory_space<hbm>> -> memref<128x128xf32, #tpu.memory_space<hbm>>
    %dma_wait3A_172 = arith.constant 128 : i32
    %dma_wait3A_173 = arith.constant 0 : i32
    %dma_wait3A_174 = tpu.memref_slice %arg7[%dma_wait3A_172, %dma_wait3A_173] : memref<512x128xf32, #tpu.memory_space<vmem>> -> memref<128x128xf32, #tpu.memory_space<vmem>>
    tpu.wait_dma2 semaphore(%arg9 : memref<!tpu.dma_semaphore, #tpu.memory_space<semaphore_mem>>) src(%dma_wait3A_174 : memref<128x128xf32, #tpu.memory_space<vmem>>) dst(%dma_wait3A_171 : memref<128x128xf32, #tpu.memory_space<hbm>>)
    %dma_wait3A_175 = arith.constant 256 : i32
    %dma_wait3A_176 = arith.constant 0 : i32
    %dma_wait3A_177 = tpu.memref_slice %arg7[%dma_wait3A_175, %dma_wait3A_176] : memref<512x128xf32, #tpu.memory_space<vmem>> -> memref<128x128xf32, #tpu.memory_space<vmem>>
    %dma_wait3A_178 = arith.constant 0 : i32
    %dma_wait3A_179 = tpu.memref_slice %arg4[%add3A_122, %dma_wait3A_178] : memref<16384x128xf32, #tpu.memory_space<hbm>> -> memref<128x128xf32, #tpu.memory_space<hbm>>
    %dma_wait3A_180 = arith.constant 0 : i32
    %dma_wait3A_181 = tpu.memref_slice %arg4[%add3A_122, %dma_wait3A_180] : memref<16384x128xf32, #tpu.memory_space<hbm>> -> memref<128x128xf32, #tpu.memory_space<hbm>>
    %dma_wait3A_182 = arith.constant 256 : i32
    %dma_wait3A_183 = arith.constant 0 : i32
    %dma_wait3A_184 = tpu.memref_slice %arg7[%dma_wait3A_182, %dma_wait3A_183] : memref<512x128xf32, #tpu.memory_space<vmem>> -> memref<128x128xf32, #tpu.memory_space<vmem>>
    tpu.wait_dma2 semaphore(%arg9 : memref<!tpu.dma_semaphore, #tpu.memory_space<semaphore_mem>>) src(%dma_wait3A_184 : memref<128x128xf32, #tpu.memory_space<vmem>>) dst(%dma_wait3A_181 : memref<128x128xf32, #tpu.memory_space<hbm>>)
    %dma_wait3A_185 = arith.constant 384 : i32
    %dma_wait3A_186 = arith.constant 0 : i32
    %dma_wait3A_187 = tpu.memref_slice %arg7[%dma_wait3A_185, %dma_wait3A_186] : memref<512x128xf32, #tpu.memory_space<vmem>> -> memref<128x128xf32, #tpu.memory_space<vmem>>
    %dma_wait3A_188 = arith.constant 0 : i32
    %dma_wait3A_189 = tpu.memref_slice %arg4[%add3A_144, %dma_wait3A_188] : memref<16384x128xf32, #tpu.memory_space<hbm>> -> memref<128x128xf32, #tpu.memory_space<hbm>>
    %dma_wait3A_190 = arith.constant 0 : i32
    %dma_wait3A_191 = tpu.memref_slice %arg4[%add3A_144, %dma_wait3A_190] : memref<16384x128xf32, #tpu.memory_space<hbm>> -> memref<128x128xf32, #tpu.memory_space<hbm>>
    %dma_wait3A_192 = arith.constant 384 : i32
    %dma_wait3A_193 = arith.constant 0 : i32
    %dma_wait3A_194 = tpu.memref_slice %arg7[%dma_wait3A_192, %dma_wait3A_193] : memref<512x128xf32, #tpu.memory_space<vmem>> -> memref<128x128xf32, #tpu.memory_space<vmem>>
    tpu.wait_dma2 semaphore(%arg9 : memref<!tpu.dma_semaphore, #tpu.memory_space<semaphore_mem>>) src(%dma_wait3A_194 : memref<128x128xf32, #tpu.memory_space<vmem>>) dst(%dma_wait3A_191 : memref<128x128xf32, #tpu.memory_space<hbm>>)
    return
  }
}

module attributes {stable_mosaic.version = 14 : i64} {
  func.func @_table_body(%arg0: i32, %arg1: memref<13x96xf32, #tpu.memory_space<vmem>>, %arg2: memref<32x96xf32, #tpu.memory_space<vmem>>, %arg3: memref<24x96xf32, #tpu.memory_space<vmem>>, %arg4: memref<96x96xf32, #tpu.memory_space<vmem>>, %arg5: memref<1x96xf32, #tpu.memory_space<vmem>>, %arg6: memref<1536x128xf32, #tpu.memory_space<vmem>>, %arg7: memref<13x96xf32, #tpu.memory_space<vmem>>, %arg8: memref<32x96xf32, #tpu.memory_space<vmem>>, %arg9: memref<24x96xf32, #tpu.memory_space<vmem>>) attributes {dimension_semantics = [#tpu.dimension_semantics<arbitrary>], iteration_bounds = array<i64: 7>, scalar_prefetch = 0 : i64, scratch_operands = 3 : i64, tpu.core_type = #tpu.core_type<tc>, window_params = [{pipeline_mode = #tpu.pipeline_mode<synchronous>, transform_indices = @transform_0, window_bounds = array<i64: 13, 96>}, {pipeline_mode = #tpu.pipeline_mode<synchronous>, transform_indices = @transform_1, window_bounds = array<i64: 32, 96>}, {pipeline_mode = #tpu.pipeline_mode<synchronous>, transform_indices = @transform_2, window_bounds = array<i64: 24, 96>}, {pipeline_mode = #tpu.pipeline_mode<synchronous>, transform_indices = @transform_3, window_bounds = array<i64: 96, 96>}, {pipeline_mode = #tpu.pipeline_mode<synchronous>, transform_indices = @transform_4, window_bounds = array<i64: 1, 96>}, {transform_indices = @transform_5, window_bounds = array<i64: 1536, 128>}]} {
    %eq3A = arith.constant 0 : i32
    %eq3A_0 = arith.cmpi eq, %arg0, %eq3A : i32
    %convert_element_type3A = arith.extui %eq3A_0 : i1 to i32
    %cond3A = arith.constant 0 : i32
    %cond3A_1 = arith.cmpi ne, %convert_element_type3A, %cond3A : i32
    scf.if %cond3A_1 {
      %get3A_29 = arith.constant 0 : index
      %get3A_30 = arith.constant 0 : index
      %get3A_31 = vector.load %arg4[%get3A_29, %get3A_30] : memref<96x96xf32, #tpu.memory_space<vmem>>, vector<96x96xf32>
      %get3A_32 = arith.constant 0 : index
      %get3A_33 = arith.constant 0 : index
      %get3A_34 = vector.load %arg1[%get3A_32, %get3A_33] : memref<13x96xf32, #tpu.memory_space<vmem>>, vector<13x96xf32>
      %iota3A = tpu.iota {dimensions = array<i32: 0>} : vector<13x16xi32>
      %convert_element_type3A_35 = arith.sitofp %iota3A : vector<13x16xi32> to vector<13x16xf32>
      %div3A = arith.constant 1.200000e+01 : f32
      %div3A_36 = vector.broadcast %div3A : f32 to vector<13x16xf32>
      %div3A_37 = arith.divf %convert_element_type3A_35, %div3A_36 : vector<13x16xf32>
      %iota3A_38 = tpu.iota {dimensions = array<i32: 1>} : vector<13x16xi32>
      %convert_element_type3A_39 = arith.sitofp %iota3A_38 : vector<13x16xi32> to vector<13x16xf32>
      %add3A_40 = arith.constant 1.000000e+00 : f32
      %add3A_41 = vector.broadcast %add3A_40 : f32 to vector<13x16xf32>
      %add3A_42 = arith.addf %convert_element_type3A_39, %add3A_41 : vector<13x16xf32>
      %mul3A_43 = arith.constant 6.28318548 : f32
      %mul3A_44 = vector.broadcast %mul3A_43 : f32 to vector<13x16xf32>
      %mul3A_45 = arith.mulf %mul3A_44, %div3A_37 : vector<13x16xf32>
      %mul3A_46 = arith.mulf %mul3A_45, %add3A_42 : vector<13x16xf32>
      %sin3A = math.sin %mul3A_46 : vector<13x16xf32>
      %cos3A = math.cos %mul3A_46 : vector<13x16xf32>
      %concatenate3A = tpu.concatenate %sin3A, %cos3A in 1 : vector<13x16xf32>, vector<13x16xf32> -> vector<13x32xf32>
      %slice3A = vector.extract_strided_slice %get3A_31 {offsets = [0, 0], sizes = [96, 32], strides = [1, 1]} : vector<96x96xf32> to vector<96x32xf32>
      %dot_general3A = arith.constant dense<0.000000e+00> : vector<13x96xf32>
      %dot_general3A_47 = tpu.matmul %concatenate3A, %slice3A, %dot_general3A {dimension_numbers = #tpu.dot_dimension_numbers<[1], [1], [0], [0], [0, 0, 1, 0], [], []>, transpose_lhs_hint = false} : vector<13x32xf32>, vector<96x32xf32>, vector<13x96xf32> -> vector<13x96xf32>
      %add3A_48 = arith.addf %get3A_34, %dot_general3A_47 : vector<13x96xf32>
      %swap3A = arith.constant 0 : index
      %swap3A_49 = arith.constant 0 : index
      %swap3A_50 = vector.load %arg7[%swap3A, %swap3A_49] : memref<13x96xf32, #tpu.memory_space<vmem>>, vector<13x96xf32>
      tpu.vector_store %arg7[%swap3A, %swap3A_49], %add3A_48 {strides = array<i32>} : memref<13x96xf32, #tpu.memory_space<vmem>>, vector<13x96xf32>,
      %get3A_51 = arith.constant 0 : index
      %get3A_52 = arith.constant 0 : index
      %get3A_53 = vector.load %arg2[%get3A_51, %get3A_52] : memref<32x96xf32, #tpu.memory_space<vmem>>, vector<32x96xf32>
      %iota3A_54 = tpu.iota {dimensions = array<i32: 0>} : vector<32x16xi32>
      %convert_element_type3A_55 = arith.sitofp %iota3A_54 : vector<32x16xi32> to vector<32x16xf32>
      %div3A_56 = arith.constant 3.100000e+01 : f32
      %div3A_57 = vector.broadcast %div3A_56 : f32 to vector<32x16xf32>
      %div3A_58 = arith.divf %convert_element_type3A_55, %div3A_57 : vector<32x16xf32>
      %iota3A_59 = tpu.iota {dimensions = array<i32: 1>} : vector<32x16xi32>
      %convert_element_type3A_60 = arith.sitofp %iota3A_59 : vector<32x16xi32> to vector<32x16xf32>
      %add3A_61 = arith.constant 1.000000e+00 : f32
      %add3A_62 = vector.broadcast %add3A_61 : f32 to vector<32x16xf32>
      %add3A_63 = arith.addf %convert_element_type3A_60, %add3A_62 : vector<32x16xf32>
      %mul3A_64 = arith.constant 6.28318548 : f32
      %mul3A_65 = vector.broadcast %mul3A_64 : f32 to vector<32x16xf32>
      %mul3A_66 = arith.mulf %mul3A_65, %div3A_58 : vector<32x16xf32>
      %mul3A_67 = arith.mulf %mul3A_66, %add3A_63 : vector<32x16xf32>
      %sin3A_68 = math.sin %mul3A_67 : vector<32x16xf32>
      %cos3A_69 = math.cos %mul3A_67 : vector<32x16xf32>
      %concatenate3A_70 = tpu.concatenate %sin3A_68, %cos3A_69 in 1 : vector<32x16xf32>, vector<32x16xf32> -> vector<32x32xf32>
      %slice3A_71 = vector.extract_strided_slice %get3A_31 {offsets = [0, 32], sizes = [96, 32], strides = [1, 1]} : vector<96x96xf32> to vector<96x32xf32>
      %dot_general3A_72 = arith.constant dense<0.000000e+00> : vector<32x96xf32>
      %dot_general3A_73 = tpu.matmul %concatenate3A_70, %slice3A_71, %dot_general3A_72 {dimension_numbers = #tpu.dot_dimension_numbers<[1], [1], [0], [0], [0, 0, 1, 0], [], []>, transpose_lhs_hint = false} : vector<32x32xf32>, vector<96x32xf32>, vector<32x96xf32> -> vector<32x96xf32>
      %add3A_74 = arith.addf %get3A_53, %dot_general3A_73 : vector<32x96xf32>
      %swap3A_75 = arith.constant 0 : index
      %swap3A_76 = arith.constant 0 : index
      %swap3A_77 = vector.load %arg8[%swap3A_75, %swap3A_76] : memref<32x96xf32, #tpu.memory_space<vmem>>, vector<32x96xf32>
      tpu.vector_store %arg8[%swap3A_75, %swap3A_76], %add3A_74 {strides = array<i32>} : memref<32x96xf32, #tpu.memory_space<vmem>>, vector<32x96xf32>,
      %get3A_78 = arith.constant 0 : index
      %get3A_79 = arith.constant 0 : index
      %get3A_80 = vector.load %arg3[%get3A_78, %get3A_79] : memref<24x96xf32, #tpu.memory_space<vmem>>, vector<24x96xf32>
      %iota3A_81 = tpu.iota {dimensions = array<i32: 0>} : vector<24x16xi32>
      %convert_element_type3A_82 = arith.sitofp %iota3A_81 : vector<24x16xi32> to vector<24x16xf32>
      %div3A_83 = arith.constant 2.400000e+01 : f32
      %div3A_84 = vector.broadcast %div3A_83 : f32 to vector<24x16xf32>
      %div3A_85 = arith.divf %convert_element_type3A_82, %div3A_84 : vector<24x16xf32>
      %iota3A_86 = tpu.iota {dimensions = array<i32: 1>} : vector<24x16xi32>
      %convert_element_type3A_87 = arith.sitofp %iota3A_86 : vector<24x16xi32> to vector<24x16xf32>
      %add3A_88 = arith.constant 1.000000e+00 : f32
      %add3A_89 = vector.broadcast %add3A_88 : f32 to vector<24x16xf32>
      %add3A_90 = arith.addf %convert_element_type3A_87, %add3A_89 : vector<24x16xf32>
      %mul3A_91 = arith.constant 6.28318548 : f32
      %mul3A_92 = vector.broadcast %mul3A_91 : f32 to vector<24x16xf32>
      %mul3A_93 = arith.mulf %mul3A_92, %div3A_85 : vector<24x16xf32>
      %mul3A_94 = arith.mulf %mul3A_93, %add3A_90 : vector<24x16xf32>
      %sin3A_95 = math.sin %mul3A_94 : vector<24x16xf32>
      %cos3A_96 = math.cos %mul3A_94 : vector<24x16xf32>
      %concatenate3A_97 = tpu.concatenate %sin3A_95, %cos3A_96 in 1 : vector<24x16xf32>, vector<24x16xf32> -> vector<24x32xf32>
      %slice3A_98 = vector.extract_strided_slice %get3A_31 {offsets = [0, 64], sizes = [96, 32], strides = [1, 1]} : vector<96x96xf32> to vector<96x32xf32>
      %dot_general3A_99 = arith.constant dense<0.000000e+00> : vector<24x96xf32>
      %dot_general3A_100 = tpu.matmul %concatenate3A_97, %slice3A_98, %dot_general3A_99 {dimension_numbers = #tpu.dot_dimension_numbers<[1], [1], [0], [0], [0, 0, 1, 0], [], []>, transpose_lhs_hint = false} : vector<24x32xf32>, vector<96x32xf32>, vector<24x96xf32> -> vector<24x96xf32>
      %add3A_101 = arith.addf %get3A_80, %dot_general3A_100 : vector<24x96xf32>
      %get3A_102 = arith.constant 0 : index
      %get3A_103 = arith.constant 0 : index
      %get3A_104 = vector.load %arg5[%get3A_102, %get3A_103] : memref<1x96xf32, #tpu.memory_space<vmem>>, vector<1x96xf32>
      %add3A_105 = vector.broadcast %get3A_104 : vector<1x96xf32> to vector<24x96xf32>
      %add3A_106 = arith.addf %add3A_101, %add3A_105 : vector<24x96xf32>
      %swap3A_107 = arith.constant 0 : index
      %swap3A_108 = arith.constant 0 : index
      %swap3A_109 = vector.load %arg9[%swap3A_107, %swap3A_108] : memref<24x96xf32, #tpu.memory_space<vmem>>, vector<24x96xf32>
      tpu.vector_store %arg9[%swap3A_107, %swap3A_108], %add3A_106 {strides = array<i32>} : memref<24x96xf32, #tpu.memory_space<vmem>>, vector<24x96xf32>,
    } else {
    }
    %broadcast_in_dim3A = arith.constant 0.000000e+00 : f32
    %broadcast_in_dim3A_2 = vector.broadcast %broadcast_in_dim3A : f32 to vector<192x32xf32>
    %get3A = arith.constant 0 : index
    %get3A_3 = arith.constant 0 : index
    %get3A_4 = vector.load %arg9[%get3A, %get3A_3] : memref<24x96xf32, #tpu.memory_space<vmem>>, vector<24x96xf32>
    %mul3A = arith.constant 2 : i32
    %mul3A_5 = arith.muli %arg0, %mul3A : i32
    %add3A = arith.constant 0 : i32
    %add3A_6 = arith.addi %mul3A_5, %add3A : i32
    %lt3A = arith.constant 13 : i32
    %lt3A_7 = arith.cmpi slt, %add3A_6, %lt3A : i32
    %convert_element_type3A_8 = arith.extui %lt3A_7 : i1 to i32
    %cond3A_9 = arith.constant 0 : i32
    %cond3A_10 = arith.cmpi ne, %convert_element_type3A_8, %cond3A_9 : i32
    scf.if %cond3A_10 {
      %get3A_29 = arith.index_cast %add3A_6 : i32 to index
      %get3A_30 = arith.constant 0 : index
      %get3A_31 = vector.load %arg7[%get3A_29, %get3A_30] : memref<13x96xf32, #tpu.memory_space<vmem>>, vector<1x96xf32>
      %get3A_32 = arith.constant 0 : index
      %get3A_33 = arith.constant 0 : index
      %get3A_34 = vector.load %arg8[%get3A_32, %get3A_33] : memref<32x96xf32, #tpu.memory_space<vmem>>, vector<8x96xf32>
      %broadcast_in_dim3A_35 = vector.shape_cast %get3A_34 : vector<8x96xf32> to vector<8x1x96xf32>
      %broadcast_in_dim3A_36 = vector.shape_cast %get3A_4 : vector<24x96xf32> to vector<1x24x96xf32>
      %add3A_37 = vector.broadcast %broadcast_in_dim3A_35 : vector<8x1x96xf32> to vector<8x24x96xf32>
      %add3A_38 = vector.broadcast %broadcast_in_dim3A_36 : vector<1x24x96xf32> to vector<8x24x96xf32>
      %add3A_39 = arith.addf %add3A_37, %add3A_38 : vector<8x24x96xf32>
      %broadcast_in_dim3A_40 = vector.shape_cast %get3A_31 : vector<1x96xf32> to vector<1x1x96xf32>
      %add3A_41 = vector.broadcast %broadcast_in_dim3A_40 : vector<1x1x96xf32> to vector<8x24x96xf32>
      %add3A_42 = arith.addf %add3A_39, %add3A_41 : vector<8x24x96xf32>
      %reshape3A = vector.shape_cast %add3A_42 : vector<8x24x96xf32> to vector<192x96xf32>
      %concatenate3A = tpu.concatenate %reshape3A, %broadcast_in_dim3A_2 in 1 : vector<192x96xf32>, vector<192x32xf32> -> vector<192x128xf32>
      %swap3A = arith.constant 0 : index
      %swap3A_43 = arith.constant 0 : index
      %swap3A_44 = vector.load %arg6[%swap3A, %swap3A_43] : memref<1536x128xf32, #tpu.memory_space<vmem>>, vector<192x128xf32>
      tpu.vector_store %arg6[%swap3A, %swap3A_43], %concatenate3A {strides = array<i32>} : memref<1536x128xf32, #tpu.memory_space<vmem>>, vector<192x128xf32>,
      %get3A_45 = arith.constant 8 : index
      %get3A_46 = arith.constant 0 : index
      %get3A_47 = vector.load %arg8[%get3A_45, %get3A_46] : memref<32x96xf32, #tpu.memory_space<vmem>>, vector<8x96xf32>
      %broadcast_in_dim3A_48 = vector.shape_cast %get3A_47 : vector<8x96xf32> to vector<8x1x96xf32>
      %broadcast_in_dim3A_49 = vector.shape_cast %get3A_4 : vector<24x96xf32> to vector<1x24x96xf32>
      %add3A_50 = vector.broadcast %broadcast_in_dim3A_48 : vector<8x1x96xf32> to vector<8x24x96xf32>
      %add3A_51 = vector.broadcast %broadcast_in_dim3A_49 : vector<1x24x96xf32> to vector<8x24x96xf32>
      %add3A_52 = arith.addf %add3A_50, %add3A_51 : vector<8x24x96xf32>
      %broadcast_in_dim3A_53 = vector.shape_cast %get3A_31 : vector<1x96xf32> to vector<1x1x96xf32>
      %add3A_54 = vector.broadcast %broadcast_in_dim3A_53 : vector<1x1x96xf32> to vector<8x24x96xf32>
      %add3A_55 = arith.addf %add3A_52, %add3A_54 : vector<8x24x96xf32>
      %reshape3A_56 = vector.shape_cast %add3A_55 : vector<8x24x96xf32> to vector<192x96xf32>
      %concatenate3A_57 = tpu.concatenate %reshape3A_56, %broadcast_in_dim3A_2 in 1 : vector<192x96xf32>, vector<192x32xf32> -> vector<192x128xf32>
      %swap3A_58 = arith.constant 192 : index
      %swap3A_59 = arith.constant 0 : index
      %swap3A_60 = vector.load %arg6[%swap3A_58, %swap3A_59] : memref<1536x128xf32, #tpu.memory_space<vmem>>, vector<192x128xf32>
      tpu.vector_store %arg6[%swap3A_58, %swap3A_59], %concatenate3A_57 {strides = array<i32>} : memref<1536x128xf32, #tpu.memory_space<vmem>>, vector<192x128xf32>,
      %get3A_61 = arith.constant 16 : index
      %get3A_62 = arith.constant 0 : index
      %get3A_63 = vector.load %arg8[%get3A_61, %get3A_62] : memref<32x96xf32, #tpu.memory_space<vmem>>, vector<8x96xf32>
      %broadcast_in_dim3A_64 = vector.shape_cast %get3A_63 : vector<8x96xf32> to vector<8x1x96xf32>
      %broadcast_in_dim3A_65 = vector.shape_cast %get3A_4 : vector<24x96xf32> to vector<1x24x96xf32>
      %add3A_66 = vector.broadcast %broadcast_in_dim3A_64 : vector<8x1x96xf32> to vector<8x24x96xf32>
      %add3A_67 = vector.broadcast %broadcast_in_dim3A_65 : vector<1x24x96xf32> to vector<8x24x96xf32>
      %add3A_68 = arith.addf %add3A_66, %add3A_67 : vector<8x24x96xf32>
      %broadcast_in_dim3A_69 = vector.shape_cast %get3A_31 : vector<1x96xf32> to vector<1x1x96xf32>
      %add3A_70 = vector.broadcast %broadcast_in_dim3A_69 : vector<1x1x96xf32> to vector<8x24x96xf32>
      %add3A_71 = arith.addf %add3A_68, %add3A_70 : vector<8x24x96xf32>
      %reshape3A_72 = vector.shape_cast %add3A_71 : vector<8x24x96xf32> to vector<192x96xf32>
      %concatenate3A_73 = tpu.concatenate %reshape3A_72, %broadcast_in_dim3A_2 in 1 : vector<192x96xf32>, vector<192x32xf32> -> vector<192x128xf32>
      %swap3A_74 = arith.constant 384 : index
      %swap3A_75 = arith.constant 0 : index
      %swap3A_76 = vector.load %arg6[%swap3A_74, %swap3A_75] : memref<1536x128xf32, #tpu.memory_space<vmem>>, vector<192x128xf32>
      tpu.vector_store %arg6[%swap3A_74, %swap3A_75], %concatenate3A_73 {strides = array<i32>} : memref<1536x128xf32, #tpu.memory_space<vmem>>, vector<192x128xf32>,
      %get3A_77 = arith.constant 24 : index
      %get3A_78 = arith.constant 0 : index
      %get3A_79 = vector.load %arg8[%get3A_77, %get3A_78] : memref<32x96xf32, #tpu.memory_space<vmem>>, vector<8x96xf32>
      %broadcast_in_dim3A_80 = vector.shape_cast %get3A_79 : vector<8x96xf32> to vector<8x1x96xf32>
      %broadcast_in_dim3A_81 = vector.shape_cast %get3A_4 : vector<24x96xf32> to vector<1x24x96xf32>
      %add3A_82 = vector.broadcast %broadcast_in_dim3A_80 : vector<8x1x96xf32> to vector<8x24x96xf32>
      %add3A_83 = vector.broadcast %broadcast_in_dim3A_81 : vector<1x24x96xf32> to vector<8x24x96xf32>
      %add3A_84 = arith.addf %add3A_82, %add3A_83 : vector<8x24x96xf32>
      %broadcast_in_dim3A_85 = vector.shape_cast %get3A_31 : vector<1x96xf32> to vector<1x1x96xf32>
      %add3A_86 = vector.broadcast %broadcast_in_dim3A_85 : vector<1x1x96xf32> to vector<8x24x96xf32>
      %add3A_87 = arith.addf %add3A_84, %add3A_86 : vector<8x24x96xf32>
      %reshape3A_88 = vector.shape_cast %add3A_87 : vector<8x24x96xf32> to vector<192x96xf32>
      %concatenate3A_89 = tpu.concatenate %reshape3A_88, %broadcast_in_dim3A_2 in 1 : vector<192x96xf32>, vector<192x32xf32> -> vector<192x128xf32>
      %swap3A_90 = arith.constant 576 : index
      %swap3A_91 = arith.constant 0 : index
      %swap3A_92 = vector.load %arg6[%swap3A_90, %swap3A_91] : memref<1536x128xf32, #tpu.memory_space<vmem>>, vector<192x128xf32>
      tpu.vector_store %arg6[%swap3A_90, %swap3A_91], %concatenate3A_89 {strides = array<i32>} : memref<1536x128xf32, #tpu.memory_space<vmem>>, vector<192x128xf32>,
    } else {
    }
    %ge3A = arith.constant 13 : i32
    %ge3A_11 = arith.cmpi sge, %add3A_6, %ge3A : i32
    %convert_element_type3A_12 = arith.extui %ge3A_11 : i1 to i32
    %cond3A_13 = arith.constant 0 : i32
    %cond3A_14 = arith.cmpi ne, %convert_element_type3A_12, %cond3A_13 : i32
    scf.if %cond3A_14 {
      %get3A_29 = arith.constant 0 : index
      %get3A_30 = arith.constant 0 : index
      %get3A_31 = vector.load %arg7[%get3A_29, %get3A_30] : memref<13x96xf32, #tpu.memory_space<vmem>>, vector<1x96xf32>
      %get3A_32 = arith.constant 0 : index
      %get3A_33 = arith.constant 0 : index
      %get3A_34 = vector.load %arg8[%get3A_32, %get3A_33] : memref<32x96xf32, #tpu.memory_space<vmem>>, vector<1x96xf32>
      %add3A_35 = arith.addf %get3A_31, %get3A_34 : vector<1x96xf32>
      %add3A_36 = vector.broadcast %add3A_35 : vector<1x96xf32> to vector<24x96xf32>
      %add3A_37 = arith.addf %add3A_36, %get3A_4 : vector<24x96xf32>
      %broadcast_in_dim3A_38 = vector.shape_cast %add3A_37 : vector<24x96xf32> to vector<1x24x96xf32>
      %broadcast_in_dim3A_39 = vector.shape_cast %broadcast_in_dim3A_38 : vector<1x24x96xf32> to vector<1x24x96xf32>
      %broadcast_in_dim3A_40 = vector.broadcast %broadcast_in_dim3A_39 : vector<1x24x96xf32> to vector<8x24x96xf32>
      %reshape3A = vector.shape_cast %broadcast_in_dim3A_40 : vector<8x24x96xf32> to vector<192x96xf32>
      %concatenate3A = tpu.concatenate %reshape3A, %broadcast_in_dim3A_2 in 1 : vector<192x96xf32>, vector<192x32xf32> -> vector<192x128xf32>
      %swap3A = arith.constant 0 : index
      %swap3A_41 = arith.constant 0 : index
      %swap3A_42 = vector.load %arg6[%swap3A, %swap3A_41] : memref<1536x128xf32, #tpu.memory_space<vmem>>, vector<192x128xf32>
      tpu.vector_store %arg6[%swap3A, %swap3A_41], %concatenate3A {strides = array<i32>} : memref<1536x128xf32, #tpu.memory_space<vmem>>, vector<192x128xf32>,
      %swap3A_43 = arith.constant 192 : index
      %swap3A_44 = arith.constant 0 : index
      %swap3A_45 = vector.load %arg6[%swap3A_43, %swap3A_44] : memref<1536x128xf32, #tpu.memory_space<vmem>>, vector<192x128xf32>
      tpu.vector_store %arg6[%swap3A_43, %swap3A_44], %concatenate3A {strides = array<i32>} : memref<1536x128xf32, #tpu.memory_space<vmem>>, vector<192x128xf32>,
      %swap3A_46 = arith.constant 384 : index
      %swap3A_47 = arith.constant 0 : index
      %swap3A_48 = vector.load %arg6[%swap3A_46, %swap3A_47] : memref<1536x128xf32, #tpu.memory_space<vmem>>, vector<192x128xf32>
      tpu.vector_store %arg6[%swap3A_46, %swap3A_47], %concatenate3A {strides = array<i32>} : memref<1536x128xf32, #tpu.memory_space<vmem>>, vector<192x128xf32>,
      %swap3A_49 = arith.constant 576 : index
      %swap3A_50 = arith.constant 0 : index
      %swap3A_51 = vector.load %arg6[%swap3A_49, %swap3A_50] : memref<1536x128xf32, #tpu.memory_space<vmem>>, vector<192x128xf32>
      tpu.vector_store %arg6[%swap3A_49, %swap3A_50], %concatenate3A {strides = array<i32>} : memref<1536x128xf32, #tpu.memory_space<vmem>>, vector<192x128xf32>,
    } else {
    }
    %mul3A_15 = arith.constant 2 : i32
    %mul3A_16 = arith.muli %arg0, %mul3A_15 : i32
    %add3A_17 = arith.constant 1 : i32
    %add3A_18 = arith.addi %mul3A_16, %add3A_17 : i32
    %lt3A_19 = arith.constant 13 : i32
    %lt3A_20 = arith.cmpi slt, %add3A_18, %lt3A_19 : i32
    %convert_element_type3A_21 = arith.extui %lt3A_20 : i1 to i32
    %cond3A_22 = arith.constant 0 : i32
    %cond3A_23 = arith.cmpi ne, %convert_element_type3A_21, %cond3A_22 : i32
    scf.if %cond3A_23 {
      %get3A_29 = arith.index_cast %add3A_18 : i32 to index
      %get3A_30 = arith.constant 0 : index
      %get3A_31 = vector.load %arg7[%get3A_29, %get3A_30] : memref<13x96xf32, #tpu.memory_space<vmem>>, vector<1x96xf32>
      %get3A_32 = arith.constant 0 : index
      %get3A_33 = arith.constant 0 : index
      %get3A_34 = vector.load %arg8[%get3A_32, %get3A_33] : memref<32x96xf32, #tpu.memory_space<vmem>>, vector<8x96xf32>
      %broadcast_in_dim3A_35 = vector.shape_cast %get3A_34 : vector<8x96xf32> to vector<8x1x96xf32>
      %broadcast_in_dim3A_36 = vector.shape_cast %get3A_4 : vector<24x96xf32> to vector<1x24x96xf32>
      %add3A_37 = vector.broadcast %broadcast_in_dim3A_35 : vector<8x1x96xf32> to vector<8x24x96xf32>
      %add3A_38 = vector.broadcast %broadcast_in_dim3A_36 : vector<1x24x96xf32> to vector<8x24x96xf32>
      %add3A_39 = arith.addf %add3A_37, %add3A_38 : vector<8x24x96xf32>
      %broadcast_in_dim3A_40 = vector.shape_cast %get3A_31 : vector<1x96xf32> to vector<1x1x96xf32>
      %add3A_41 = vector.broadcast %broadcast_in_dim3A_40 : vector<1x1x96xf32> to vector<8x24x96xf32>
      %add3A_42 = arith.addf %add3A_39, %add3A_41 : vector<8x24x96xf32>
      %reshape3A = vector.shape_cast %add3A_42 : vector<8x24x96xf32> to vector<192x96xf32>
      %concatenate3A = tpu.concatenate %reshape3A, %broadcast_in_dim3A_2 in 1 : vector<192x96xf32>, vector<192x32xf32> -> vector<192x128xf32>
      %swap3A = arith.constant 768 : index
      %swap3A_43 = arith.constant 0 : index
      %swap3A_44 = vector.load %arg6[%swap3A, %swap3A_43] : memref<1536x128xf32, #tpu.memory_space<vmem>>, vector<192x128xf32>
      tpu.vector_store %arg6[%swap3A, %swap3A_43], %concatenate3A {strides = array<i32>} : memref<1536x128xf32, #tpu.memory_space<vmem>>, vector<192x128xf32>,
      %get3A_45 = arith.constant 8 : index
      %get3A_46 = arith.constant 0 : index
      %get3A_47 = vector.load %arg8[%get3A_45, %get3A_46] : memref<32x96xf32, #tpu.memory_space<vmem>>, vector<8x96xf32>
      %broadcast_in_dim3A_48 = vector.shape_cast %get3A_47 : vector<8x96xf32> to vector<8x1x96xf32>
      %broadcast_in_dim3A_49 = vector.shape_cast %get3A_4 : vector<24x96xf32> to vector<1x24x96xf32>
      %add3A_50 = vector.broadcast %broadcast_in_dim3A_48 : vector<8x1x96xf32> to vector<8x24x96xf32>
      %add3A_51 = vector.broadcast %broadcast_in_dim3A_49 : vector<1x24x96xf32> to vector<8x24x96xf32>
      %add3A_52 = arith.addf %add3A_50, %add3A_51 : vector<8x24x96xf32>
      %broadcast_in_dim3A_53 = vector.shape_cast %get3A_31 : vector<1x96xf32> to vector<1x1x96xf32>
      %add3A_54 = vector.broadcast %broadcast_in_dim3A_53 : vector<1x1x96xf32> to vector<8x24x96xf32>
      %add3A_55 = arith.addf %add3A_52, %add3A_54 : vector<8x24x96xf32>
      %reshape3A_56 = vector.shape_cast %add3A_55 : vector<8x24x96xf32> to vector<192x96xf32>
      %concatenate3A_57 = tpu.concatenate %reshape3A_56, %broadcast_in_dim3A_2 in 1 : vector<192x96xf32>, vector<192x32xf32> -> vector<192x128xf32>
      %swap3A_58 = arith.constant 960 : index
      %swap3A_59 = arith.constant 0 : index
      %swap3A_60 = vector.load %arg6[%swap3A_58, %swap3A_59] : memref<1536x128xf32, #tpu.memory_space<vmem>>, vector<192x128xf32>
      tpu.vector_store %arg6[%swap3A_58, %swap3A_59], %concatenate3A_57 {strides = array<i32>} : memref<1536x128xf32, #tpu.memory_space<vmem>>, vector<192x128xf32>,
      %get3A_61 = arith.constant 16 : index
      %get3A_62 = arith.constant 0 : index
      %get3A_63 = vector.load %arg8[%get3A_61, %get3A_62] : memref<32x96xf32, #tpu.memory_space<vmem>>, vector<8x96xf32>
      %broadcast_in_dim3A_64 = vector.shape_cast %get3A_63 : vector<8x96xf32> to vector<8x1x96xf32>
      %broadcast_in_dim3A_65 = vector.shape_cast %get3A_4 : vector<24x96xf32> to vector<1x24x96xf32>
      %add3A_66 = vector.broadcast %broadcast_in_dim3A_64 : vector<8x1x96xf32> to vector<8x24x96xf32>
      %add3A_67 = vector.broadcast %broadcast_in_dim3A_65 : vector<1x24x96xf32> to vector<8x24x96xf32>
      %add3A_68 = arith.addf %add3A_66, %add3A_67 : vector<8x24x96xf32>
      %broadcast_in_dim3A_69 = vector.shape_cast %get3A_31 : vector<1x96xf32> to vector<1x1x96xf32>
      %add3A_70 = vector.broadcast %broadcast_in_dim3A_69 : vector<1x1x96xf32> to vector<8x24x96xf32>
      %add3A_71 = arith.addf %add3A_68, %add3A_70 : vector<8x24x96xf32>
      %reshape3A_72 = vector.shape_cast %add3A_71 : vector<8x24x96xf32> to vector<192x96xf32>
      %concatenate3A_73 = tpu.concatenate %reshape3A_72, %broadcast_in_dim3A_2 in 1 : vector<192x96xf32>, vector<192x32xf32> -> vector<192x128xf32>
      %swap3A_74 = arith.constant 1152 : index
      %swap3A_75 = arith.constant 0 : index
      %swap3A_76 = vector.load %arg6[%swap3A_74, %swap3A_75] : memref<1536x128xf32, #tpu.memory_space<vmem>>, vector<192x128xf32>
      tpu.vector_store %arg6[%swap3A_74, %swap3A_75], %concatenate3A_73 {strides = array<i32>} : memref<1536x128xf32, #tpu.memory_space<vmem>>, vector<192x128xf32>,
      %get3A_77 = arith.constant 24 : index
      %get3A_78 = arith.constant 0 : index
      %get3A_79 = vector.load %arg8[%get3A_77, %get3A_78] : memref<32x96xf32, #tpu.memory_space<vmem>>, vector<8x96xf32>
      %broadcast_in_dim3A_80 = vector.shape_cast %get3A_79 : vector<8x96xf32> to vector<8x1x96xf32>
      %broadcast_in_dim3A_81 = vector.shape_cast %get3A_4 : vector<24x96xf32> to vector<1x24x96xf32>
      %add3A_82 = vector.broadcast %broadcast_in_dim3A_80 : vector<8x1x96xf32> to vector<8x24x96xf32>
      %add3A_83 = vector.broadcast %broadcast_in_dim3A_81 : vector<1x24x96xf32> to vector<8x24x96xf32>
      %add3A_84 = arith.addf %add3A_82, %add3A_83 : vector<8x24x96xf32>
      %broadcast_in_dim3A_85 = vector.shape_cast %get3A_31 : vector<1x96xf32> to vector<1x1x96xf32>
      %add3A_86 = vector.broadcast %broadcast_in_dim3A_85 : vector<1x1x96xf32> to vector<8x24x96xf32>
      %add3A_87 = arith.addf %add3A_84, %add3A_86 : vector<8x24x96xf32>
      %reshape3A_88 = vector.shape_cast %add3A_87 : vector<8x24x96xf32> to vector<192x96xf32>
      %concatenate3A_89 = tpu.concatenate %reshape3A_88, %broadcast_in_dim3A_2 in 1 : vector<192x96xf32>, vector<192x32xf32> -> vector<192x128xf32>
      %swap3A_90 = arith.constant 1344 : index
      %swap3A_91 = arith.constant 0 : index
      %swap3A_92 = vector.load %arg6[%swap3A_90, %swap3A_91] : memref<1536x128xf32, #tpu.memory_space<vmem>>, vector<192x128xf32>
      tpu.vector_store %arg6[%swap3A_90, %swap3A_91], %concatenate3A_89 {strides = array<i32>} : memref<1536x128xf32, #tpu.memory_space<vmem>>, vector<192x128xf32>,
    } else {
    }
    %ge3A_24 = arith.constant 13 : i32
    %ge3A_25 = arith.cmpi sge, %add3A_18, %ge3A_24 : i32
    %convert_element_type3A_26 = arith.extui %ge3A_25 : i1 to i32
    %cond3A_27 = arith.constant 0 : i32
    %cond3A_28 = arith.cmpi ne, %convert_element_type3A_26, %cond3A_27 : i32
    scf.if %cond3A_28 {
      %get3A_29 = arith.constant 0 : index
      %get3A_30 = arith.constant 0 : index
      %get3A_31 = vector.load %arg7[%get3A_29, %get3A_30] : memref<13x96xf32, #tpu.memory_space<vmem>>, vector<1x96xf32>
      %get3A_32 = arith.constant 0 : index
      %get3A_33 = arith.constant 0 : index
      %get3A_34 = vector.load %arg8[%get3A_32, %get3A_33] : memref<32x96xf32, #tpu.memory_space<vmem>>, vector<1x96xf32>
      %add3A_35 = arith.addf %get3A_31, %get3A_34 : vector<1x96xf32>
      %add3A_36 = vector.broadcast %add3A_35 : vector<1x96xf32> to vector<24x96xf32>
      %add3A_37 = arith.addf %add3A_36, %get3A_4 : vector<24x96xf32>
      %broadcast_in_dim3A_38 = vector.shape_cast %add3A_37 : vector<24x96xf32> to vector<1x24x96xf32>
      %broadcast_in_dim3A_39 = vector.shape_cast %broadcast_in_dim3A_38 : vector<1x24x96xf32> to vector<1x24x96xf32>
      %broadcast_in_dim3A_40 = vector.broadcast %broadcast_in_dim3A_39 : vector<1x24x96xf32> to vector<8x24x96xf32>
      %reshape3A = vector.shape_cast %broadcast_in_dim3A_40 : vector<8x24x96xf32> to vector<192x96xf32>
      %concatenate3A = tpu.concatenate %reshape3A, %broadcast_in_dim3A_2 in 1 : vector<192x96xf32>, vector<192x32xf32> -> vector<192x128xf32>
      %swap3A = arith.constant 768 : index
      %swap3A_41 = arith.constant 0 : index
      %swap3A_42 = vector.load %arg6[%swap3A, %swap3A_41] : memref<1536x128xf32, #tpu.memory_space<vmem>>, vector<192x128xf32>
      tpu.vector_store %arg6[%swap3A, %swap3A_41], %concatenate3A {strides = array<i32>} : memref<1536x128xf32, #tpu.memory_space<vmem>>, vector<192x128xf32>,
      %swap3A_43 = arith.constant 960 : index
      %swap3A_44 = arith.constant 0 : index
      %swap3A_45 = vector.load %arg6[%swap3A_43, %swap3A_44] : memref<1536x128xf32, #tpu.memory_space<vmem>>, vector<192x128xf32>
      tpu.vector_store %arg6[%swap3A_43, %swap3A_44], %concatenate3A {strides = array<i32>} : memref<1536x128xf32, #tpu.memory_space<vmem>>, vector<192x128xf32>,
      %swap3A_46 = arith.constant 1152 : index
      %swap3A_47 = arith.constant 0 : index
      %swap3A_48 = vector.load %arg6[%swap3A_46, %swap3A_47] : memref<1536x128xf32, #tpu.memory_space<vmem>>, vector<192x128xf32>
      tpu.vector_store %arg6[%swap3A_46, %swap3A_47], %concatenate3A {strides = array<i32>} : memref<1536x128xf32, #tpu.memory_space<vmem>>, vector<192x128xf32>,
      %swap3A_49 = arith.constant 1344 : index
      %swap3A_50 = arith.constant 0 : index
      %swap3A_51 = vector.load %arg6[%swap3A_49, %swap3A_50] : memref<1536x128xf32, #tpu.memory_space<vmem>>, vector<192x128xf32>
      tpu.vector_store %arg6[%swap3A_49, %swap3A_50], %concatenate3A {strides = array<i32>} : memref<1536x128xf32, #tpu.memory_space<vmem>>, vector<192x128xf32>,
    } else {
    }
    return
  }
  func.func @transform_0(%arg0: i32) -> (i32, i32) {
    %c0_i32 = arith.constant 0 : i32
    %c0_i32_0 = arith.constant 0 : i32
    %c0_i32_1 = arith.constant 0 : i32
    return %c0_i32, %c0_i32_0 : i32, i32
  }
  func.func @transform_1(%arg0: i32) -> (i32, i32) {
    %c0_i32 = arith.constant 0 : i32
    %c0_i32_0 = arith.constant 0 : i32
    %c0_i32_1 = arith.constant 0 : i32
    return %c0_i32, %c0_i32_0 : i32, i32
  }
  func.func @transform_2(%arg0: i32) -> (i32, i32) {
    %c0_i32 = arith.constant 0 : i32
    %c0_i32_0 = arith.constant 0 : i32
    %c0_i32_1 = arith.constant 0 : i32
    return %c0_i32, %c0_i32_0 : i32, i32
  }
  func.func @transform_3(%arg0: i32) -> (i32, i32) {
    %c0_i32 = arith.constant 0 : i32
    %c0_i32_0 = arith.constant 0 : i32
    %c0_i32_1 = arith.constant 0 : i32
    return %c0_i32, %c0_i32_0 : i32, i32
  }
  func.func @transform_4(%arg0: i32) -> (i32, i32) {
    %c0_i32 = arith.constant 0 : i32
    %c0_i32_0 = arith.constant 0 : i32
    %c0_i32_1 = arith.constant 0 : i32
    return %c0_i32, %c0_i32_0 : i32, i32
  }
  func.func @transform_5(%arg0: i32) -> (i32, i32) {
    %c0_i32 = arith.constant 0 : i32
    %c0_i32_0 = arith.constant 0 : i32
    return %arg0, %c0_i32 : i32, i32
  }
}

</mosaic_0001>

<sc_bundles>
// kernel: kernel.4.cloned.1.call-start
scs
__scs_entry_jumppad:
0x0: {  	(pc) =	sbr.rel $0x88, $3  }
0x1: {  	(tag) =	ssettag $0x0;
	lr =	simm.s32 $0x1  }
0x2: {  	[smem:$0x3F9B] =	sst lr;
	_ =	strace $0xD0000000  }
0x3: {  	_ = 	snop  }
0x4: {  	_ = 	snop  }
0x5: {  	_ = 	snop  }
0x6: {  	_ = 	snop  }
0x7: {  	_ = 	snop  }
__scs_overlays_trampoline_lowered:
0x8: {  	[smem:$0x3FAA] =	sst s0  }
0x9: {  	[smem:$0x3FAB] =	sst s1  }
0xa: {  	[smem:$0x3FAC] =	sst s2  }
0xb: {  	[smem:$0x3FAD] =	sst s3  }
0xc: {  	[smem:$0x3FAE] =	sst s4  }
0xd: {  	[smem:$0x3FAF] =	sst s5  }
0xe: {  	[smem:$0x3FB0] =	sst s6  }
0xf: {  	[smem:$0x3FB1] =	sst s7  }
0x10: {  	[smem:$0x3FB2] =	sst s8  }
0x11: {  	[smem:$0x3FB3] =	sst s9;
	s0 =	simm.s32 @!p0 $0x0  }
0x12: {  	s1 =	sld [smem:$0x3F99];
	s0 =	simm.s32 @p0 $0x1  }
0x13: {  	[smem:$0x3FB4] =	sst s0;
	s0 =	simm.s32 @!p1 $0x0  }
0x14: {  	s2 =	sld [smem:$0x3F98];
	s0 =	simm.s32 @p1 $0x1  }
0x15: {  	[smem:$0x3FB5] =	sst s0;
	s0 =	simm.s32 @!p2 $0x0  }
0x16: {  	s3 =	sld [smem:$0x3FDB];
	s0 =	simm.s32 @p2 $0x1  }
0x17: {  	s4 =	simm.s32 $0x1BF5;
	[smem:$0x3FB7] =	sst s0  }
0x18: {  	s0 =	sld [smem:$0x3F9A];
	_ =	swait.ge [sflag:s4], $0x0  }
0x19: {  	s7 =	sld [smem:$0x3F9B]  }
0x1a: {  	s8 =	sadd.s32 $0xFFFFE003, lr  }
0x1b: {  	s9 =	sadd.s32 $0xFFFFFEF7, lr;
	s5 =	simm.s32 $0xFFFFFFFF;
	p2 =	slt.u32 s8, $0xFFFFF086  }
0x1c: {  	p1 =	slt.u32 s9, $0xF7A;
	s5 =	simm.s32 @!p2 $0x0  }
0x1d: {  	s5 =	simm.s32 @p1 $0x1;
	p0 =	seq.s32 s7, s2  }
0x1e: {  	s7 =	smul.u32 @!p0 $0xF7A, s2;
	p2 =	seq.s32 @!p0 s5, $0x0  }
0x1f: {  	s9 =	smul.u32 $0xF7A, s1;
	s8 =	simm.s32 @!p0 $0x1BF5;
	p2 =	por !p2, p0  }
0x20: {  	[sflag:s8] =	ssyncset.s32 @!p0 $0xFFFFF086;
	s6 =	sadd.s32 @!p0 s3, s7;
	s7 =	simm.s32 @!p0 $0x108  }
0x21: {  	s3 =	sadd.s32 s3, s9;
	s6 =	sadd.s32 @!p0 $0x88, s6;
	s7 =	simm.s32 @p2 $0x1082  }
0x22: {  	[simem:s7], [sflag:s8] =	dma.local @!p0 [hbm:s6], $0xF7A  }
0x23: {  	s9 =	sor.u32 $0xD0000000, s2;
	s6 =	simm.s32 $0x108;
	_ =	swait.ge @!p0 [sflag:s8], $0x0  }
0x24: {  	s3 =	sadd.s32 $0x88, s3;
	s6 =	simm.s32 @!p1 $0x1082;
	[sflag:s4] =	ssyncset.s32 $0xFFFFF086  }
0x25: {  	[simem:s6], [sflag:s4] =	dma.local [hbm:s3], $0xF7A  }
0x26: {  	[smem:$0x3F9B] =	sst s1;
	(tag) =	ssettag s2;
	_ =	strace s9  }
0x27: {  	s1 =	sld [smem:$0x3FAB]  }
0x28: {  	s2 =	sld [smem:$0x3FAC]  }
0x29: {  	s4 =	sld [smem:$0x3FAE]  }
0x2a: {  	p0 =	seq.s32 s5, $0x0;
	s5 =	sld [smem:$0x3FAF]  }
0x2b: {  	s6 =	sld [smem:$0x3FB0]  }
0x2c: {  	s7 =	sld [smem:$0x3FB1]  }
0x2d: {  	s3 =	simm.s32 $0x108;
	s8 =	sld [smem:$0x3FB2]  }
0x2e: {  	s3 =	simm.s32 @!p0 $0x1082;
	s9 =	sld [smem:$0x3FB3]  }
0x2f: {  	lr =	sadd.s32 s0, s3;
	s0 =	sld [smem:$0x3FAA]  }
0x30: {  	s3 =	sld [smem:$0x3FAD]  }
0x31: {  	[smem:$0x3FB6] =	sst s10  }
0x32: {  	s10 =	sld [smem:$0x3FB4];
	_ =	sdelay $0x3  }
0x33: {  	p0 =	seq.s32 s10, $0x1;
	s10 =	sld [smem:$0x3FB6];
	_ =	sdelay $0x3  }
0x34: {  	[smem:$0x3FB6] =	sst s10  }
0x35: {  	s10 =	sld [smem:$0x3FB5];
	_ =	sdelay $0x3  }
0x36: {  	p1 =	seq.s32 s10, $0x1;
	s10 =	sld [smem:$0x3FB6];
	_ =	sdelay $0x3  }
0x37: {  	[smem:$0x3FB6] =	sst s10  }
0x38: {  	s10 =	sld [smem:$0x3FB7]  }
0x39: {  	_ = 	snop;
	(pc) =	sbr.ind lr, $3  }
0x3a: {  	_ = 	snop  }
0x3b: {  	_ = 	snop  }
0x3c: {  	p2 =	seq.s32 s10, $0x1;
	s10 =	sld [smem:$0x3FB6]  }
0x3d: {  	_ =	shalt  }
0x3e: {  	_ =	shalt  }
0x3f: {  	_ =	shalt  }
0x40: {  	_ =	shalt  }
0x41: {  	_ =	shalt  }
0x42: {  	_ =	shalt  }
0x43: {  	_ =	shalt  }
0x44: {  	_ =	shalt  }
0x45: {  	_ =	shalt  }
0x46: {  	_ =	shalt  }
0x47: {  	_ =	shalt  }
0x48: {  	_ =	shalt  }
0x49: {  	_ =	shalt  }
0x4a: {  	_ =	shalt  }
0x4b: {  	_ =	shalt  }
0x4c: {  	_ =	shalt  }
0x4d: {  	_ =	shalt  }
0x4e: {  	_ =	shalt  }
0x4f: {  	_ =	shalt  }
0x50: {  	_ =	shalt  }
0x51: {  	_ =	shalt  }
0x52: {  	_ =	shalt  }
0x53: {  	_ =	shalt  }
0x54: {  	_ =	shalt  }
0x55: {  	_ =	shalt  }
0x56: {  	_ =	shalt  }
0x57: {  	_ =	shalt  }
0x58: {  	_ =	shalt  }
0x59: {  	_ =	shalt  }
0x5a: {  	_ =	shalt  }
0x5b: {  	_ =	shalt  }
0x5c: {  	_ =	shalt  }
0x5d: {  	_ =	shalt  }
0x5e: {  	_ =	shalt  }
0x5f: {  	_ =	shalt  }
0x60: {  	_ =	shalt  }
0x61: {  	_ =	shalt  }
0x62: {  	_ =	shalt  }
0x63: {  	_ =	shalt  }
0x64: {  	_ =	shalt  }
0x65: {  	_ =	shalt  }
0x66: {  	_ =	shalt  }
0x67: {  	_ =	shalt  }
0x68: {  	_ =	shalt  }
0x69: {  	_ =	shalt  }
0x6a: {  	_ =	shalt  }
0x6b: {  	_ =	shalt  }
0x6c: {  	_ =	shalt  }
0x6d: {  	_ =	shalt  }
0x6e: {  	_ =	shalt  }
0x6f: {  	_ =	shalt  }
0x70: {  	_ =	shalt  }
0x71: {  	_ =	shalt  }
0x72: {  	_ =	shalt  }
0x73: {  	_ =	shalt  }
0x74: {  	_ =	shalt  }
0x75: {  	_ =	shalt  }
0x76: {  	_ =	shalt  }
0x77: {  	_ =	shalt  }
0x78: {  	_ =	shalt  }
0x79: {  	_ =	shalt  }
0x7a: {  	_ =	shalt  }
0x7b: {  	_ =	shalt  }
0x7c: {  	_ =	shalt  }
0x7d: {  	_ =	shalt  }
0x7e: {  	_ =	shalt  }
0x7f: {  	_ =	shalt  }
0x80: {  	_ =	shalt  }
0x81: {  	_ =	shalt  }
0x82: {  	_ =	shalt  }
0x83: {  	_ =	shalt  }
0x84: {  	_ =	shalt  }
0x85: {  	_ =	shalt  }
0x86: {  	_ =	shalt  }
0x87: {  	_ =	shalt  }
.Lfunc_end0:
.L_simem_size_0:
called_computation_lowered:
.L_overlay_start_0:
0x88: {  	s2 =	sld [smem:$0x3FD9]  }
0x89: {  	s3 =	sld [smem:$0x3FFE];
	_ =	sdelay $0x1  }
0x8a: {  	s1 =	srdreg.scid  }
0x8b: {  	s0 =	sand.u32 $0x1, s1  }
0x8c: {  	s17 =	sshll.u32 s0, $0xA;
	s2 =	sadd.s32 s3, s2  }
0x8d: {  	s2 =	sadd.s32 s2, s17  }
0x8e: {  	[smem:$0x3FC2] =	sst s2  }
0x8f: {  	_ = 	snop  }
0x90: {  	s2 =	sld [smem:$0x3FC9]  }
0x91: {  	s18 =	sld [smem:$0x3FD0];
	(tm) =	ssettm $0x1  }
0x92: {  	s4 =	sld [smem:$0x3FFB];
	_ =	sdelay $0x3  }
0x93: {  	_ =	strace s4  }
0x94: {  	s4 =	sld [smem:$0x3FFC];
	_ =	sdelay $0x3  }
0x95: {  	_ =	strace s4  }
0x96: {  	s4 =	sld [smem:$0x3FFD];
	_ =	sdelay $0x3  }
0x97: {  	_ =	strace s4  }
0x98: {  	_ =	strace $0x8FFFFFFF  }
0x99: {  	s19 =	sld [smem:$0x3FDB];
	_ =	sdelay $0x1  }
0x9a: {  	s5 =	simm.s32 $_scs_section_size  }
0x9b: {  	s6 =	simm.s32 $_size__tile_overlayer_lowered;
	s7 =	simm.s32 $_tile_overlayer_lowered  }
0x9c: {  	s22 =	simm.s32 $0x1BFF;
	s21 =	sshll.u32 s7, $0x1;
	s4 =	sadd.s32 s5, s19  }
0x9d: {  	s8 =	simm.s32 $0x0;
	s20 =	sshll.u32 s6, $0x1;
	s6 =	sadd.s32 s21, s4  }
0x9e: {  	[timem:s8], [sflag:s22] =	dma.local [hbm:s6], s20  }
0x9f: {  	_ =	swait.ge [sflag:s22], s20  }
0xa0: {  	s5 =	ssub.s32 $0x0, s20;
	[sflag:s22] =	ssyncset.done $0x0  }
0xa1: {  	[sflag:s22] =	ssyncadd.s32 s5;
	_ =	sdelay $0x1  }
0xa2: {  	s23 =	simm.s32 $0x1B8B  }
0xa3: {  	_ =	swait.ge [sflag:s23], $0x1  }
0xa4: {  	[sflag:s23] =	ssyncset.done $0x0  }
0xa5: {  	s25 =	simm.s32 $0x1B8E;
	s24 =	sld [smem:$0x3FFE];
	[sflag:s23] =	ssyncadd.s32 $0xFFFFFFFF  }
0xa6: {  	s26 =	simm.s32 $execute0_lowered;
	[smem:$0x3FD2] =	sst s25  }
0xa7: {  	s6 =	sshll.u32 s26, $0x1;
	_ =	strace $0x80000046;
	[dreg:$0x1] =	wrdreg $0xFFFFFFFF  }
0xa8: {  	s28 =	simm.s32 $_size_execute0_lowered;
	s4 =	sadd.s32 s4, s6;
	[dreg:$0x0] =	wrdreg $0x0  }
0xa9: {  	s6 =	sshll.u32 s28, $0x1;
	[dreg:$0x2] =	wrdreg s4  }
0xaa: {  	[dreg:$0x3] =	wrdreg s6  }
0xab: {  	[dreg:$0x4] =	wrdreg $0xC0  }
0xac: {  	_ =	task [dreg:s8], $0x5FFFF  }
0xad: {  	[dreg:$0x1] =	wrdreg $0xFFFFFFFF  }
0xae: {  	[dreg:$0x0] =	wrdreg $0x60  }
0xaf: {  	[dreg:$0x2] =	wrdreg s2  }
0xb0: {  	[dreg:$0x3] =	wrdreg s18  }
0xb1: {  	[dreg:$0x4] =	wrdreg s24  }
0xb2: {  	[dreg:$0x5] =	wrdreg $0x9  }
0xb3: {  	_ =	task.clear_ibuf [dreg:s8], $0x6FFFF;
	_ =	strace $0x90000046  }
0xb4: {  	s29 =	simm.s32 $0x9;
	_ =	strace $0x80000048  }
0xb5: {  	_ =	swait.ge [sflag:s29], $0x1  }
0xb6: {  	[sflag:s29] =	ssyncadd.s32 $0xFFFFFFFF  }
0xb7: {  	_ =	strace $0x90000048  }
0xb8: {  	_ =	sfence  }
0xb9: {  	s30 =	sld [smem:$0x0];
	_ =	sdelay $0x2  }
0xba: {  	s31 =	sshll.u32 s1, $0xD;
	s1 =	sshrl.u32 s1, $0x2  }
0xbb: {  	s3 =	sand.u32 $0x4000, s31;
	s1 =	sadd.s32 s1, s30  }
0xbc: {  	s0 =	sor.u32 s3, s0;
	s1 =	sshll.u32 s1, $0x11  }
0xbd: {  	s0 =	sor.u32 s1, s0  }
0xbe: {  	s0 =	sadd.s32 $0x8F2B, s0  }
0xbf: {  	[sflag:s0] =	ssyncadd.remote.s32 $0x1  }
0xc0: {  	_ =	sfence.sel $0xFFFF  }
0xc1: {  	[dreg:$0x0] =	wrdreg $0xFFFFFFFF;
	(pc) =	sbr.abs _section_cstart, $3  }
0xc2: {  	[dreg:$0x1] =	wrdreg $0xFFFFFFFF  }
0xc3: {  	_ =	task.clear_ibuf [dreg:s8], $0x2FFFF;
	_ =	strace $0x9FFFFFFF  }
0xc4: {  	(tm) =	ssettm $0x7FFFFFFF  }
0xc5: {  	_ =	shalt  }
tec
execute0_lowered:
.L_overlay_start_1:
0x0: {  	(tag) =	ssettag $0x1  }
0x1: {  	s4 =	rddreg [dreg:$0x0]  }
0x2: {  	s2 =	rddreg [dreg:$0x1]  }
0x3: {  	s5 =	rddreg [dreg:$0x2]  }
0x4: {  	s0 =	rddreg [dreg:$0x3];
	s6 =	srdreg.scid  }
0x5: {  	s1 =	stileid.u32;
	s3 =	simm.s32 $0x0;
	s11 =	simm.s32 $0x80  }
0x6: {  	s12 =	simm.s32 $0x200;
	s13 =	simm.s32 $0x400;
	s15 =	simm.s32 $0x4400  }
0x7: {  	s16 =	simm.s32 $0x300;
	s17 =	simm.s32 $0x8400;
	s18 =	simm.s32 $0x380  }
0x8: {  	s19 =	simm.s32 $0xC400;
	s20 =	simm.s32 $0x1;
	s21 =	simm.s32 $0x2  }
0x9: {  	s6 =	sand.u32 $0x1, s6;
	s7 =	sshll.u32 s1, $0x1;
	[smem:$0x7FF] =	sst s3  }
0xa: {  	s22 =	simm.s32 $0x0;
	s7 =	sor.u32 s6, s7;
	_ =	strace $0x80000047  }
0xb: {  	s6 =	ssub.s32 $0x2, s6;
	s8 =	sshll.u32 s7, $0xD;
	s14 =	smul.u32 $0x18, s7  }
0xc: {  	s31 =	sshrl.u32 s6, $0x1;
	s9 =	sshll.u32 s7, $0x6;
	s8 =	sadd.s32 s8, s5  }
0xd: {  	s10 =	ssub.s32 s6, s31;
	s4 =	sadd.s32 s4, s9;
	s5 =	sadd.s32 $0x1000, s8;
	v0 =	vmov s14  }
0xe: {  	s6 =	sadd.s32 $0x1800, s8;
	s7 =	sadd.s32 $0x2000, s8;
	s8 =	sadd.s32 $0x2800, s8;
	v0 =	vadd.s32 $0x2700, v0  }
0xf: {  	s9 =	smax.u32 s10, $0x1;
	s10 =	simm.s32 $0x3;
	s14 =	simm.s32 $0x280;
	v0 =	vbroadcast v0, $0x0  }
.LBB2_1:
0x10: {  	[tilespmem:s3], [sflag:$0x3] =	stream.linear.gather [hbm4b:s4+s3], $0x200, $0x38;
	[tilespmem:$0x10400] =	vst v63  }
0x11: {  	_ =	swait.ge [sflag:s10], $0x200  }
0x12: {  	s26 =	simm.s32 $0x0;
	s25 =	simm.s32 $0x10;
	[sflag:s10] =	ssyncset.done $0x0  }
0x13: {  	s23 =	simm.s32 $0x0;
	s24 =	simm.s32 $0x0;
	[sflag:s10] =	ssyncadd.s32 $0xFFFFFE00  }
.LBB2_2:
0x14: {  	p0 =	sne.s32 s25, $0x1F0;
	v1 =	vld [tilespmem:s26+$0x0];
	_ =	sdelay $0x4  }
0x15: {  	v2 =	vcvt.s32.f32 v1;
	_ =	sdelay $0x1  }
0x16: {  	v2 =	vadd.f32 $5.000000000e-01, v2;
	_ =	sdelay $0x1  }
0x17: {  	v2 =	vmul.f32 $9.999999770e-03, v2;
	_ =	sdelay $0x1  }
0x18: {  	v2 =	vtrunc.f32 v2  }
0x19: {  	v3 =	vadd.f32 $5.000000000e-01, v2;
	_ =	sdelay $0x1  }
0x1a: {  	v3 =	vmul.f32 $9.999999770e-03, v3;
	_ =	sdelay $0x1  }
0x1b: {  	v3 =	vtrunc.f32 v3  }
0x1c: {  	v3 =	vcvt.f32.s32 v3  }
0x1d: {  	v2 =	vcvt.f32.s32 v2  }
0x1e: {  	v4 =	vmul.u32 $0xFFFFFF9C, v3  }
0x1f: {  	v5 =	vmul.u32 $0xFFFFFF9C, v2  }
0x20: {  	vm0 =	vlt.s32 v3, $0xC;
	v2 =	vadd.s32 v2, v4  }
0x21: {  	v1 =	vadd.s32 v1, v5;
	v3 =	vnsel vm0, $0xC, v3;
	vm1 =	vlt.s32 v2, $0x1F  }
0x22: {  	vm0 =	vlt.s32 v1, $0x17;
	v3 =	vmul.u32 $0x300, v3;
	v2 =	vnsel vm1, $0x1F, v2  }
0x23: {  	v1 =	vnsel vm0, $0x17, v1;
	v2 =	vmul.u32 $0x18, v2  }
0x24: {  	v1 =	vadd.s32 v1, v3  }
.Ltmp0:
0x25: {  	v1 =	vadd.s32 v2, v1;
	(pc) =	sbr.rel @p0 .LBB2_2-.Ltmp0, $4  }
0x26: {  	s26 =	sand.u32 $0x600, s23;
	vm0 =	vlt.s32 v1, $0x18  }
0x27: {  	s28 =	sand.u32 $0x70, s24;
	s24 =	smov.u32 s25;
	s26 =	sshrl.u32 s26, $0x2;
	v2 =	vnsel vm0, $0x0, v0  }
0x28: {  	s23 =	sadd.s32 $0x40, s23;
	s28 =	sor.u32 s28, s26;
	v1 =	vadd.s32 v1, v2  }
0x29: {  	s25 =	sadd.s32 $0x10, s25;
	s26 =	sshra.s32 s23, $0x2;
	[tilespmem:s28+$0x200] =	vst v1  }
0x2a: {  	v1 =	vld [tilespmem:s26+$0x0];
	_ =	sdelay $0x4  }
0x2b: {  	v2 =	vcvt.s32.f32 v1;
	_ =	sdelay $0x1  }
0x2c: {  	v2 =	vadd.f32 $5.000000000e-01, v2;
	_ =	sdelay $0x1  }
0x2d: {  	v2 =	vmul.f32 $9.999999770e-03, v2;
	_ =	sdelay $0x1  }
0x2e: {  	v2 =	vtrunc.f32 v2  }
0x2f: {  	v3 =	vadd.f32 $5.000000000e-01, v2;
	_ =	sdelay $0x1  }
0x30: {  	v3 =	vmul.f32 $9.999999770e-03, v3;
	_ =	sdelay $0x1  }
0x31: {  	v3 =	vtrunc.f32 v3  }
0x32: {  	v3 =	vcvt.f32.s32 v3  }
0x33: {  	v2 =	vcvt.f32.s32 v2  }
0x34: {  	v4 =	vmul.u32 $0xFFFFFF9C, v3  }
0x35: {  	v5 =	vmul.u32 $0xFFFFFF9C, v2  }
0x36: {  	vm0 =	vlt.s32 v3, $0xC;
	v2 =	vadd.s32 v2, v4  }
0x37: {  	v1 =	vadd.s32 v1, v5;
	v3 =	vnsel vm0, $0xC, v3;
	vm1 =	vlt.s32 v2, $0x1F  }
0x38: {  	vm14 =	vlt.s32 v1, $0x17;
	v3 =	vmul.u32 $0x300, v3;
	v2 =	vnsel vm1, $0x1F, v2  }
0x39: {  	v1 =	vnsel vm14, $0x17, v1;
	v2 =	vmul.u32 $0x18, v2  }
0x3a: {  	v1 =	vadd.s32 v1, v3  }
0x3b: {  	v1 =	vadd.s32 v2, v1  }
0x3c: {  	s23 =	sand.u32 $0x600, s23;
	vm15 =	vlt.s32 v1, $0x18  }
0x3d: {  	s24 =	sand.u32 $0x70, s24;
	s23 =	sshrl.u32 s23, $0x2;
	v2 =	vnsel vm15, $0x0, v0  }
0x3e: {  	s23 =	sor.u32 s24, s23;
	v1 =	vadd.s32 v1, v2  }
0x3f: {  	[tilespmem:s23+$0x200] =	vst v1  }
0x40: {  	[tilespmem:s13], [sflag:$0x1] =	stream.indirect.gather [hbm4b:s2+s11], $0x80, s12, s11, $0xb8;
	[tilespmem:$0x10400] =	vst v63  }
0x41: {  	_ = 	snop  }
0x42: {  	[tilespmem:s15], [sflag:$0x1] =	stream.indirect.gather [hbm4b:s2+s11], $0x80, s14, s11, $0xb8;
	[tilespmem:$0x10400] =	vst v63  }
0x43: {  	_ = 	snop  }
0x44: {  	[tilespmem:s17], [sflag:$0x1] =	stream.indirect.gather [hbm4b:s2+s11], $0x80, s16, s11, $0xb8;
	[tilespmem:$0x10400] =	vst v63  }
0x45: {  	_ = 	snop  }
0x46: {  	[tilespmem:s19], [sflag:$0x1] =	stream.indirect.gather [hbm4b:s2+s11], $0x80, s18, s11, $0xb8;
	[tilespmem:$0x10400] =	vst v63  }
0x47: {  	_ =	swait.ge [sflag:s20], $0x4000  }
0x48: {  	[sflag:s20] =	ssyncset.done $0x0  }
0x49: {  	[sflag:s20] =	ssyncadd.s32 $0xFFFFC000  }
0x4a: {  	[hbm4b:s5+s3] =	stream.linear.scatter [tilespmem:s13], [sflag:$0x2], $0x4000, $0x38;
	[tilespmem:$0x10400] =	vst v63  }
0x4b: {  	_ =	swait.ge [sflag:s20], $0x4000  }
0x4c: {  	[sflag:s20] =	ssyncset.done $0x0  }
0x4d: {  	[sflag:s20] =	ssyncadd.s32 $0xFFFFC000  }
0x4e: {  	[hbm4b:s6+s3] =	stream.linear.scatter [tilespmem:s15], [sflag:$0x2], $0x4000, $0x38;
	[tilespmem:$0x10400] =	vst v63  }
0x4f: {  	_ =	swait.ge [sflag:s20], $0x4000  }
0x50: {  	[sflag:s20] =	ssyncset.done $0x0  }
0x51: {  	[sflag:s20] =	ssyncadd.s32 $0xFFFFC000  }
0x52: {  	[hbm4b:s7+s3] =	stream.linear.scatter [tilespmem:s17], [sflag:$0x2], $0x4000, $0x38;
	[tilespmem:$0x10400] =	vst v63  }
0x53: {  	_ =	swait.ge [sflag:s20], $0x4000  }
0x54: {  	[sflag:s20] =	ssyncset.done $0x0  }
0x55: {  	[sflag:s20] =	ssyncadd.s32 $0xFFFFC000  }
0x56: {  	[hbm4b:s8+s3] =	stream.linear.scatter [tilespmem:s19], [sflag:$0x2], $0x4000, $0x38;
	[tilespmem:$0x10400] =	vst v63  }
0x57: {  	_ =	swait.ge [sflag:s21], $0x4000  }
0x58: {  	[sflag:s21] =	ssyncset.done $0x0  }
0x59: {  	[sflag:s21] =	ssyncadd.s32 $0xFFFFC000  }
0x5a: {  	_ =	swait.ge [sflag:s21], $0x4000  }
0x5b: {  	[sflag:s21] =	ssyncset.done $0x0  }
0x5c: {  	s22 =	sadd.s32 $0x1, s22;
	[sflag:s21] =	ssyncadd.s32 $0xFFFFC000  }
0x5d: {  	p0 =	sne.s32 s22, s9;
	_ =	swait.ge [sflag:s21], $0x4000  }
.Ltmp1:
0x5e: {  	[sflag:s21] =	ssyncset.done $0x0;
	(pc) =	sbr.rel @p0 .LBB2_1-.Ltmp1, $4  }
0x5f: {  	[sflag:s21] =	ssyncadd.s32 $0xFFFFC000  }
0x60: {  	_ =	swait.ge [sflag:s21], $0x4000  }
0x61: {  	[sflag:s21] =	ssyncset.done $0x0  }
0x62: {  	[sflag:s21] =	ssyncadd.s32 $0xFFFFC000  }
0x63: {  	_ =	sfence.sel $0x180000  }
0x64: {  	[bflag:$0x0] =	sbarrier.arrive $0xFFFF  }
0x65: {  	p0 =	sne.s32 s1, $0x0;
	_ =	strace $0x90000047  }
0x66: {  	s0 =	sadd.s32 @!p0 $0x100000, s0;
	[bflag:$0x2] =	sbarrier.arrive $0xFFFF  }
0x67: {  	[sflag:s0] =	ssyncadd.tile.s32 @!p0 $0x1;
	_ =	shalt  }
.Lfunc_end2:
_tile_overlayer_lowered:
.L_overlay_start_2:
0x68: {  	(tag) =	ssettag $0x2  }
0x69: {  	s0 =	rddreg [dreg:$0x0];
	s2 =	stileid.u32  }
0x6a: {  	s1 =	rddreg [dreg:$0x1];
	p0 =	sne.s32 s2, $0x0  }
0x6b: {  	s3 =	rddreg [dreg:$0x2];
	[bflag:$0x3] =	sbarrier.arrive $0xFFFF;
	s2 =	simm.s32 @!p0 $0x1C03  }
0x6c: {  	[timem:s3], [sflag:s2] =	dma.local @!p0 [hbm:s0], s1  }
0x6d: {  	s0 =	simm.s32 @!p0 $0x3  }
0x6e: {  	_ =	swait.ge @!p0 [sflag:s0], s1  }
0x6f: {  	s1 =	ssub.s32 @!p0 $0x0, s1;
	[sflag:s0] =	ssyncset.done @!p0 $0x0  }
0x70: {  	[sflag:s0] =	ssyncadd.s32 @!p0 s1  }
0x71: {  	[bflag:$0x3] =	sbarrier.arrive $0xFFFF  }
0x72: {  	_ =	shalt  }

</sc_bundles>
